<compile_context>
chip_gen: v7x
topology: tpu7x:2x2x1
jax: 0.10.2.dev20260603
libtpu: 0.0.44.dev20260713+nightly
codegen_flags: <defaults>
</compile_context>

<pallas_src>
import functools

import jax
import jax.numpy as jnp
from jax import lax
from jax.experimental import pallas as pl
from jax.experimental.pallas import tpu as pltpu
from jax.experimental.pallas import tpu_sc as plsc

N_PROT = 10000
N_LIG = 10000
E = 320000
RADIUS_EMB_DIM = 32
FOLD_DIM = 128
PROTEIN_RADIUS = 30.0

NC = 2
NS = 16
NW = NC * NS

EDGES_PER_TILE = E // NW
CHUNK = 2000
N_CHUNKS = EDGES_PER_TILE // CHUNK
IDX_MINOR = 125
IDX_ROWS_PER_CHUNK = CHUNK // IDX_MINOR
GROUPS = CHUNK // 16

FEAT = 5 * RADIUS_EMB_DIM
FEAT_PAD = 256
BLK = 1000

def _sc_body(p_hbm, ligx_hbm, ligy_hbm, ligz_hbm, src_hbm, dst2d_hbm, d2_hbm,
             ligx_v, ligy_v, ligz_v, src_v, dsti_v, prot_v, out_v, sem):
    wid = lax.axis_index("s") * NC + lax.axis_index("c")
    pltpu.sync_copy(ligx_hbm, ligx_v)
    pltpu.sync_copy(ligy_hbm, ligy_v)
    pltpu.sync_copy(ligz_hbm, ligz_v)

    def chunk_body(c, carry):
        row0 = wid * (EDGES_PER_TILE // IDX_MINOR) + c * IDX_ROWS_PER_CHUNK
        ebase = row0 * IDX_MINOR
        pltpu.sync_copy(src_hbm.at[pl.ds(ebase, CHUNK)], src_v)
        pltpu.sync_copy(dst2d_hbm.at[pl.ds(row0, IDX_ROWS_PER_CHUNK)], dsti_v)
        cps = []
        for j in range(IDX_ROWS_PER_CHUNK):
            cps.append(pltpu.async_copy(
                p_hbm.at[dsti_v.at[j]],
                prot_v.at[pl.ds(j * IDX_MINOR, IDX_MINOR)], sem))
        for cp in cps:
            cp.wait()

        def grp(g, carry2):
            off = g * 16
            rows = off + lax.iota(jnp.int32, 16)
            sv = src_v[pl.ds(off, 16)]
            lx = plsc.load_gather(ligx_v, [sv])
            ly = plsc.load_gather(ligy_v, [sv])
            lz = plsc.load_gather(ligz_v, [sv])
            for k in range(5):
                px = plsc.load_gather(prot_v, [rows, jnp.full((16,), 3 * k, jnp.int32)])
                py = plsc.load_gather(prot_v, [rows, jnp.full((16,), 3 * k + 1, jnp.int32)])
                pz = plsc.load_gather(prot_v, [rows, jnp.full((16,), 3 * k + 2, jnp.int32)])
                dx = lx - px
                dy = ly - py
                dz = lz - pz
                d2 = dx * dx + dy * dy + dz * dz
                plsc.store_scatter(out_v, [rows, jnp.full((16,), k, jnp.int32)], d2)
            return carry2

        lax.fori_loop(0, GROUPS, grp, 0)
        pltpu.sync_copy(out_v, d2_hbm.at[pl.ds(ebase, CHUNK)])
        return carry

    lax.fori_loop(0, N_CHUNKS, chunk_body, 0)


@functools.lru_cache(maxsize=1)
def _sc_dist2():
    mesh = plsc.VectorSubcoreMesh(
        core_axis_name="c", subcore_axis_name="s", num_cores=NC, num_subcores=NS)
    return pl.kernel(
        _sc_body,
        out_type=jax.ShapeDtypeStruct((E, 8), jnp.float32),
        mesh=mesh,
        scratch_types=[
            pltpu.VMEM((N_LIG,), jnp.float32),
            pltpu.VMEM((N_LIG,), jnp.float32),
            pltpu.VMEM((N_LIG,), jnp.float32),
            pltpu.VMEM((CHUNK,), jnp.int32),
            pltpu.VMEM((IDX_ROWS_PER_CHUNK, IDX_MINOR), jnp.int32),
            pltpu.VMEM((CHUNK, 16), jnp.float32),
            pltpu.VMEM((CHUNK, 8), jnp.float32),
            pltpu.SemaphoreType.DMA,
        ],
        compiler_params=pltpu.CompilerParams(
            needs_layout_passes=False, use_tc_tiling_on_sc=False),
    )


_COEFF = -0.5 / (PROTEIN_RADIUS / (RADIUS_EMB_DIM - 1)) ** 2


def _tc_body(d2_ref, s_ref, off_ref, w1_ref, b1_ref, w2_ref, b2_ref, o_ref):
    d2 = d2_ref[...]
    colmask = lax.broadcasted_iota(jnp.int32, (BLK, 8), 1) < 5
    d = jnp.sqrt(jnp.where(colmask, d2, 0.0) + 1e-12)
    dd = jnp.dot(d, s_ref[...], preferred_element_type=jnp.float32,
                 precision=lax.Precision.HIGHEST)
    t = dd - off_ref[...]
    ea = jnp.exp(_COEFF * (t * t))
    h = jnp.maximum(
        jnp.dot(ea, w1_ref[...], preferred_element_type=jnp.float32) + b1_ref[...], 0.0)
    o_ref[...] = jnp.dot(h, w2_ref[...], preferred_element_type=jnp.float32) + b2_ref[...]


def kernel(lig_pos, prot_pos, prot_pos_Cb, prot_pos_C, prot_pos_O, prot_pos_N,
           cross_idx, W1, b1, W2, b2):
    p_packed = jnp.concatenate(
        [prot_pos, prot_pos_Cb, prot_pos_C, prot_pos_O, prot_pos_N,
         jnp.zeros((N_PROT, 1), jnp.float32)], axis=1)
    src = cross_idx[0].astype(jnp.int32)
    dst2d = cross_idx[1].astype(jnp.int32).reshape(E // IDX_MINOR, IDX_MINOR)
    ligx = lig_pos[:, 0]
    ligy = lig_pos[:, 1]
    ligz = lig_pos[:, 2]

    d2 = _sc_dist2()(p_packed, ligx, ligy, ligz, src, dst2d)

    offset = jnp.linspace(0.0, PROTEIN_RADIUS, RADIUS_EMB_DIM)
    off_full = jnp.concatenate(
        [jnp.tile(offset, 5), jnp.zeros((FEAT_PAD - FEAT,), jnp.float32)])[None, :]
    sel = (jnp.arange(FEAT_PAD)[None, :] // RADIUS_EMB_DIM) == jnp.arange(8)[:, None]
    sel = sel & (jnp.arange(FEAT_PAD)[None, :] < FEAT)
    s_mat = sel.astype(jnp.float32)
    w1p = jnp.concatenate(
        [W1, jnp.zeros((FEAT_PAD - FEAT, FOLD_DIM), jnp.float32)], axis=0)

    out = pl.pallas_call(
        _tc_body,
        grid=(E // BLK,),
        in_specs=[
            pl.BlockSpec((BLK, 8), lambda i: (i, 0)),
            pl.BlockSpec((8, FEAT_PAD), lambda i: (0, 0)),
            pl.BlockSpec((1, FEAT_PAD), lambda i: (0, 0)),
            pl.BlockSpec((FEAT_PAD, FOLD_DIM), lambda i: (0, 0)),
            pl.BlockSpec((1, FOLD_DIM), lambda i: (0, 0)),
            pl.BlockSpec((FOLD_DIM, FOLD_DIM), lambda i: (0, 0)),
            pl.BlockSpec((1, FOLD_DIM), lambda i: (0, 0)),
        ],
        out_specs=pl.BlockSpec((BLK, FOLD_DIM), lambda i: (i, 0)),
        out_shape=jax.ShapeDtypeStruct((E, FOLD_DIM), jnp.float32),
    )(d2, s_mat, off_full, w1p, b1[None, :], W2, b2[None, :])
    return out

# --- scband reference (transcript-rebuilt; emitter-appended) ---
"""Pipeline reference for scband-flow-site-model-31001073943180 (READ-ONLY COPY).

The authoritative reference and input builder live on the scoring server;
editing this copy changes nothing except your own understanding.
"""

import jax, jax.numpy as jnp
import numpy as np

N_PROT = 10000
N_LIG = 10000
E = 320000
RADIUS_EMB_DIM = 32
FOLD_DIM = 128
PROTEIN_RADIUS = 30.0


def gaussian_smearing(dist, start=0.0, stop=PROTEIN_RADIUS, num_gaussians=RADIUS_EMB_DIM):
    offset = jnp.linspace(start, stop, num_gaussians)
    coeff = -0.5 / (offset[1] - offset[0]) ** 2
    d = dist[..., None] - offset[None, :]
    return jnp.exp(coeff * d ** 2)


def setup_inputs(seed: int = 0) -> dict:
    key = jax.random.key(seed)
    ks = jax.random.split(key, 12)
    lig_pos = jax.random.normal(ks[0], (N_LIG, 3), dtype=jnp.float32) * 10.0
    prot_pos = jax.random.normal(ks[1], (N_PROT, 3), dtype=jnp.float32) * 10.0
    prot_pos_Cb = prot_pos + jax.random.normal(ks[2], (N_PROT, 3), dtype=jnp.float32)
    prot_pos_C = prot_pos + jax.random.normal(ks[3], (N_PROT, 3), dtype=jnp.float32)
    prot_pos_O = prot_pos + jax.random.normal(ks[4], (N_PROT, 3), dtype=jnp.float32)
    prot_pos_N = prot_pos + jax.random.normal(ks[5], (N_PROT, 3), dtype=jnp.float32)
    src = jax.random.randint(ks[6], (E,), 0, N_LIG, dtype=jnp.int64 if jax.config.jax_enable_x64 else jnp.int32)
    dst = jax.random.randint(ks[7], (E,), 0, N_PROT, dtype=jnp.int64 if jax.config.jax_enable_x64 else jnp.int32)
    cross_idx = jnp.stack([src, dst], axis=0)
    W1 = jax.random.normal(ks[8], (5 * RADIUS_EMB_DIM, FOLD_DIM), dtype=jnp.float32) / np.sqrt(5 * RADIUS_EMB_DIM)
    b1 = jnp.zeros((FOLD_DIM,), dtype=jnp.float32)
    W2 = jax.random.normal(ks[9], (FOLD_DIM, FOLD_DIM), dtype=jnp.float32) / np.sqrt(FOLD_DIM)
    b2 = jnp.zeros((FOLD_DIM,), dtype=jnp.float32)
    return {
        'lig_pos': lig_pos, 'prot_pos': prot_pos, 'prot_pos_Cb': prot_pos_Cb,
        'prot_pos_C': prot_pos_C, 'prot_pos_O': prot_pos_O, 'prot_pos_N': prot_pos_N,
        'cross_idx': cross_idx, 'W1': W1, 'b1': b1, 'W2': W2, 'b2': b2,
    }


def _norm(v):
    return jnp.sqrt(jnp.sum(v * v, axis=-1) + 1e-12)


def reference(lig_pos, prot_pos, prot_pos_Cb, prot_pos_C, prot_pos_O, prot_pos_N,
              cross_idx, W1, b1, W2, b2):
    # CrossEdgeBuilder.forward: gather positions along precomputed cross edges,
    # compute 5 edge vectors (CA, Cb, C, O, N), RBF-embed distances, MLP-embed.
    src = cross_idx[0]
    dst = cross_idx[1]
    lp = jnp.take(lig_pos, src, axis=0)
    edge_vec = lp - jnp.take(prot_pos, dst, axis=0)
    edge_vec_cb = lp - jnp.take(prot_pos_Cb, dst, axis=0)
    edge_vec_c = lp - jnp.take(prot_pos_C, dst, axis=0)
    edge_vec_o = lp - jnp.take(prot_pos_O, dst, axis=0)
    edge_vec_n = lp - jnp.take(prot_pos_N, dst, axis=0)
    edge_attr = jnp.concatenate([
        gaussian_smearing(_norm(edge_vec)),
        gaussian_smearing(_norm(edge_vec_cb)),
        gaussian_smearing(_norm(edge_vec_c)),
        gaussian_smearing(_norm(edge_vec_o)),
        gaussian_smearing(_norm(edge_vec_n)),
    ], axis=-1)
    h = jax.nn.relu(edge_attr @ W1 + b1)
    out = h @ W2 + b2
    return out

if __name__ == "__main__":
    import jax
    _d = setup_inputs()
    print(jax.jit(kernel)(*tuple(_d.values())))

</pallas_src>

<mosaic_0001>
#map = affine_map<(d0, d1) -> (0, 0)>
#map1 = affine_map<(d0, d1) -> (0)>
module attributes {stable_mosaic.version = 14 : i64} {
  func.func @_sc_body(%arg0: i32, %arg1: i32, %arg2: memref<10000x16xf32, #tpu.memory_space<hbm>>, %arg3: memref<10000xf32, #tpu.memory_space<hbm>>, %arg4: memref<10000xf32, #tpu.memory_space<hbm>>, %arg5: memref<10000xf32, #tpu.memory_space<hbm>>, %arg6: memref<320000xi32, #tpu.memory_space<hbm>>, %arg7: memref<2560x125xi32, #tpu.memory_space<hbm>>, %arg8: memref<320000x8xf32, #tpu.memory_space<hbm>>, %arg9: memref<10000xf32, #tpu.memory_space<vmem>>, %arg10: memref<10000xf32, #tpu.memory_space<vmem>>, %arg11: memref<10000xf32, #tpu.memory_space<vmem>>, %arg12: memref<2000xi32, #tpu.memory_space<vmem>>, %arg13: memref<16x125xi32, #tpu.memory_space<vmem>>, %arg14: memref<2000x16xf32, #tpu.memory_space<vmem>>, %arg15: memref<2000x8xf32, #tpu.memory_space<vmem>>, %arg16: memref<!tpu.dma_semaphore, #tpu.memory_space<semaphore_mem>>) attributes {dimension_semantics = [#tpu.dimension_semantics<core_parallel>, #tpu.dimension_semantics<subcore_parallel>], iteration_bounds = array<i64: 2, 16>, scalar_prefetch = 0 : i64, scratch_operands = 8 : i64, tpu.core_type = #tpu.core_type<sc_vector_subcore>, window_params = [{transform_indices = #map}, {transform_indices = #map1}, {transform_indices = #map1}, {transform_indices = #map1}, {transform_indices = #map1}, {transform_indices = #map}, {transform_indices = #map}]} {
    %mul3A = arith.constant 2 : i32
    %mul3A_0 = arith.muli %arg1, %mul3A : i32
    %add3A = arith.addi %mul3A_0, %arg0 : i32
    "tpu.region"() ({
      %run_scoped3A = tpu.sem_alloc : memref<!tpu.dma_semaphore, #tpu.memory_space<semaphore_mem>>
      tpu.enqueue_dma source(%arg3 : memref<10000xf32, #tpu.memory_space<hbm>>) target(%arg9 : memref<10000xf32, #tpu.memory_space<vmem>>) target_semaphore(%run_scoped3A : memref<!tpu.dma_semaphore, #tpu.memory_space<semaphore_mem>>)
      tpu.wait_dma2 semaphore(%run_scoped3A : memref<!tpu.dma_semaphore, #tpu.memory_space<semaphore_mem>>) src(%arg3 : memref<10000xf32, #tpu.memory_space<hbm>>) dst(%arg9 : memref<10000xf32, #tpu.memory_space<vmem>>)
      tpu.yield
    }) : () -> ()
    "tpu.region"() ({
      %run_scoped3A = tpu.sem_alloc : memref<!tpu.dma_semaphore, #tpu.memory_space<semaphore_mem>>
      tpu.enqueue_dma source(%arg4 : memref<10000xf32, #tpu.memory_space<hbm>>) target(%arg10 : memref<10000xf32, #tpu.memory_space<vmem>>) target_semaphore(%run_scoped3A : memref<!tpu.dma_semaphore, #tpu.memory_space<semaphore_mem>>)
      tpu.wait_dma2 semaphore(%run_scoped3A : memref<!tpu.dma_semaphore, #tpu.memory_space<semaphore_mem>>) src(%arg4 : memref<10000xf32, #tpu.memory_space<hbm>>) dst(%arg10 : memref<10000xf32, #tpu.memory_space<vmem>>)
      tpu.yield
    }) : () -> ()
    "tpu.region"() ({
      %run_scoped3A = tpu.sem_alloc : memref<!tpu.dma_semaphore, #tpu.memory_space<semaphore_mem>>
      tpu.enqueue_dma source(%arg5 : memref<10000xf32, #tpu.memory_space<hbm>>) target(%arg11 : memref<10000xf32, #tpu.memory_space<vmem>>) target_semaphore(%run_scoped3A : memref<!tpu.dma_semaphore, #tpu.memory_space<semaphore_mem>>)
      tpu.wait_dma2 semaphore(%run_scoped3A : memref<!tpu.dma_semaphore, #tpu.memory_space<semaphore_mem>>) src(%arg5 : memref<10000xf32, #tpu.memory_space<hbm>>) dst(%arg11 : memref<10000xf32, #tpu.memory_space<vmem>>)
      tpu.yield
    }) : () -> ()
    %scan3A = arith.constant 0 : i32
    %scan3A_1 = arith.constant 0 : i32
    %scan3A_2 = arith.constant 5 : i32
    %scan3A_3 = arith.addi %scan3A_1, %scan3A_2 : i32
    %scan3A_4 = arith.constant 1 : i32
    scf.for %scan3A_6 = %scan3A_1 to %scan3A_3 step %scan3A_4  : i32 {
      %mul3A_7 = arith.constant 80 : i32
      %mul3A_8 = arith.muli %add3A, %mul3A_7 : i32
      %mul3A_9 = arith.constant 16 : i32
      %mul3A_10 = arith.muli %scan3A_6, %mul3A_9 : i32
      %add3A_11 = arith.addi %mul3A_8, %mul3A_10 : i32
      %mul3A_12 = arith.constant 125 : i32
      %mul3A_13 = arith.muli %add3A_11, %mul3A_12 : i32
      "tpu.region"() ({
        %run_scoped3A = tpu.sem_alloc : memref<!tpu.dma_semaphore, #tpu.memory_space<semaphore_mem>>
        %dma_start3A_338 = tpu.memref_slice %arg6[%mul3A_13] : memref<320000xi32, #tpu.memory_space<hbm>> -> memref<2000xi32, #tpu.memory_space<hbm>>
        %dma_start3A_339 = tpu.memref_slice %arg6[%mul3A_13] : memref<320000xi32, #tpu.memory_space<hbm>> -> memref<2000xi32, #tpu.memory_space<hbm>>
        tpu.enqueue_dma source(%dma_start3A_339 : memref<2000xi32, #tpu.memory_space<hbm>>) target(%arg12 : memref<2000xi32, #tpu.memory_space<vmem>>) target_semaphore(%run_scoped3A : memref<!tpu.dma_semaphore, #tpu.memory_space<semaphore_mem>>)
        %dma_wait3A_340 = tpu.memref_slice %arg6[%mul3A_13] : memref<320000xi32, #tpu.memory_space<hbm>> -> memref<2000xi32, #tpu.memory_space<hbm>>
        %dma_wait3A_341 = tpu.memref_slice %arg6[%mul3A_13] : memref<320000xi32, #tpu.memory_space<hbm>> -> memref<2000xi32, #tpu.memory_space<hbm>>
        tpu.wait_dma2 semaphore(%run_scoped3A : memref<!tpu.dma_semaphore, #tpu.memory_space<semaphore_mem>>) src(%dma_wait3A_341 : memref<2000xi32, #tpu.memory_space<hbm>>) dst(%arg12 : memref<2000xi32, #tpu.memory_space<vmem>>)
        tpu.yield
      }) : () -> ()
      "tpu.region"() ({
        %run_scoped3A = tpu.sem_alloc : memref<!tpu.dma_semaphore, #tpu.memory_space<semaphore_mem>>
        %dma_start3A_338 = arith.constant 0 : i32
        %dma_start3A_339 = tpu.memref_slice %arg7[%add3A_11, %dma_start3A_338] : memref<2560x125xi32, #tpu.memory_space<hbm>> -> memref<16x125xi32, #tpu.memory_space<hbm>>
        %dma_start3A_340 = arith.constant 0 : i32
        %dma_start3A_341 = tpu.memref_slice %arg7[%add3A_11, %dma_start3A_340] : memref<2560x125xi32, #tpu.memory_space<hbm>> -> memref<16x125xi32, #tpu.memory_space<hbm>>
        tpu.enqueue_dma source(%dma_start3A_341 : memref<16x125xi32, #tpu.memory_space<hbm>>) target(%arg13 : memref<16x125xi32, #tpu.memory_space<vmem>>) target_semaphore(%run_scoped3A : memref<!tpu.dma_semaphore, #tpu.memory_space<semaphore_mem>>)
        %dma_wait3A_342 = arith.constant 0 : i32
        %dma_wait3A_343 = tpu.memref_slice %arg7[%add3A_11, %dma_wait3A_342] : memref<2560x125xi32, #tpu.memory_space<hbm>> -> memref<16x125xi32, #tpu.memory_space<hbm>>
        %dma_wait3A_344 = arith.constant 0 : i32
        %dma_wait3A_345 = tpu.memref_slice %arg7[%add3A_11, %dma_wait3A_344] : memref<2560x125xi32, #tpu.memory_space<hbm>> -> memref<16x125xi32, #tpu.memory_space<hbm>>
        tpu.wait_dma2 semaphore(%run_scoped3A : memref<!tpu.dma_semaphore, #tpu.memory_space<semaphore_mem>>) src(%dma_wait3A_345 : memref<16x125xi32, #tpu.memory_space<hbm>>) dst(%arg13 : memref<16x125xi32, #tpu.memory_space<vmem>>)
        tpu.yield
      }) : () -> ()
      %dma_start3A = arith.constant 0 : i32
      %dma_start3A_14 = arith.constant 0 : i32
      %dma_start3A_15 = arith.constant 0 : i32
      %dma_start3A_16 = tpu.memref_slice %arg14[%dma_start3A_14, %dma_start3A_15] : memref<2000x16xf32, #tpu.memory_space<vmem>> -> memref<125x16xf32, #tpu.memory_space<vmem>>
      %dma_start3A_17 = arith.constant 0 : i32
      %dma_start3A_18 = tpu.memref_slice %arg13[%dma_start3A, %dma_start3A_17] : memref<16x125xi32, #tpu.memory_space<vmem>> -> memref<1x125xi32, #tpu.memory_space<vmem>>
      %dma_start3A_19 = tpu.memref_squeeze %dma_start3A_18 : memref<1x125xi32, #tpu.memory_space<vmem>> -> memref<125xi32, #tpu.memory_space<vmem>>
      %dma_start3A_20 = arith.constant 0 : i32
      %dma_start3A_21 = arith.constant 0 : i32
      %dma_start3A_22 = tpu.memref_slice %arg2[%dma_start3A_20, %dma_start3A_21] : memref<10000x16xf32, #tpu.memory_space<hbm>> -> memref<10000x16xf32, #tpu.memory_space<hbm>>
      tpu.enqueue_indirect_dma source(%dma_start3A_22 : memref<10000x16xf32, #tpu.memory_space<hbm>>) target(%dma_start3A_16 : memref<125x16xf32, #tpu.memory_space<vmem>>) offsets(%dma_start3A_19 : memref<125xi32, #tpu.memory_space<vmem>>) semaphore(%arg16 : memref<!tpu.dma_semaphore, #tpu.memory_space<semaphore_mem>>)
      %dma_start3A_23 = arith.constant 1 : i32
      %dma_start3A_24 = arith.constant 125 : i32
      %dma_start3A_25 = arith.constant 0 : i32
      %dma_start3A_26 = tpu.memref_slice %arg14[%dma_start3A_24, %dma_start3A_25] : memref<2000x16xf32, #tpu.memory_space<vmem>> -> memref<125x16xf32, #tpu.memory_space<vmem>>
      %dma_start3A_27 = arith.constant 0 : i32
      %dma_start3A_28 = tpu.memref_slice %arg13[%dma_start3A_23, %dma_start3A_27] : memref<16x125xi32, #tpu.memory_space<vmem>> -> memref<1x125xi32, #tpu.memory_space<vmem>>
      %dma_start3A_29 = tpu.memref_squeeze %dma_start3A_28 : memref<1x125xi32, #tpu.memory_space<vmem>> -> memref<125xi32, #tpu.memory_space<vmem>>
      %dma_start3A_30 = arith.constant 0 : i32
      %dma_start3A_31 = arith.constant 0 : i32
      %dma_start3A_32 = tpu.memref_slice %arg2[%dma_start3A_30, %dma_start3A_31] : memref<10000x16xf32, #tpu.memory_space<hbm>> -> memref<10000x16xf32, #tpu.memory_space<hbm>>
      tpu.enqueue_indirect_dma source(%dma_start3A_32 : memref<10000x16xf32, #tpu.memory_space<hbm>>) target(%dma_start3A_26 : memref<125x16xf32, #tpu.memory_space<vmem>>) offsets(%dma_start3A_29 : memref<125xi32, #tpu.memory_space<vmem>>) semaphore(%arg16 : memref<!tpu.dma_semaphore, #tpu.memory_space<semaphore_mem>>)
      %dma_start3A_33 = arith.constant 2 : i32
      %dma_start3A_34 = arith.constant 250 : i32
      %dma_start3A_35 = arith.constant 0 : i32
      %dma_start3A_36 = tpu.memref_slice %arg14[%dma_start3A_34, %dma_start3A_35] : memref<2000x16xf32, #tpu.memory_space<vmem>> -> memref<125x16xf32, #tpu.memory_space<vmem>>
      %dma_start3A_37 = arith.constant 0 : i32
      %dma_start3A_38 = tpu.memref_slice %arg13[%dma_start3A_33, %dma_start3A_37] : memref<16x125xi32, #tpu.memory_space<vmem>> -> memref<1x125xi32, #tpu.memory_space<vmem>>
      %dma_start3A_39 = tpu.memref_squeeze %dma_start3A_38 : memref<1x125xi32, #tpu.memory_space<vmem>> -> memref<125xi32, #tpu.memory_space<vmem>>
      %dma_start3A_40 = arith.constant 0 : i32
      %dma_start3A_41 = arith.constant 0 : i32
      %dma_start3A_42 = tpu.memref_slice %arg2[%dma_start3A_40, %dma_start3A_41] : memref<10000x16xf32, #tpu.memory_space<hbm>> -> memref<10000x16xf32, #tpu.memory_space<hbm>>
      tpu.enqueue_indirect_dma source(%dma_start3A_42 : memref<10000x16xf32, #tpu.memory_space<hbm>>) target(%dma_start3A_36 : memref<125x16xf32, #tpu.memory_space<vmem>>) offsets(%dma_start3A_39 : memref<125xi32, #tpu.memory_space<vmem>>) semaphore(%arg16 : memref<!tpu.dma_semaphore, #tpu.memory_space<semaphore_mem>>)
      %dma_start3A_43 = arith.constant 3 : i32
      %dma_start3A_44 = arith.constant 375 : i32
      %dma_start3A_45 = arith.constant 0 : i32
      %dma_start3A_46 = tpu.memref_slice %arg14[%dma_start3A_44, %dma_start3A_45] : memref<2000x16xf32, #tpu.memory_space<vmem>> -> memref<125x16xf32, #tpu.memory_space<vmem>>
      %dma_start3A_47 = arith.constant 0 : i32
      %dma_start3A_48 = tpu.memref_slice %arg13[%dma_start3A_43, %dma_start3A_47] : memref<16x125xi32, #tpu.memory_space<vmem>> -> memref<1x125xi32, #tpu.memory_space<vmem>>
      %dma_start3A_49 = tpu.memref_squeeze %dma_start3A_48 : memref<1x125xi32, #tpu.memory_space<vmem>> -> memref<125xi32, #tpu.memory_space<vmem>>
      %dma_start3A_50 = arith.constant 0 : i32
      %dma_start3A_51 = arith.constant 0 : i32
      %dma_start3A_52 = tpu.memref_slice %arg2[%dma_start3A_50, %dma_start3A_51] : memref<10000x16xf32, #tpu.memory_space<hbm>> -> memref<10000x16xf32, #tpu.memory_space<hbm>>
      tpu.enqueue_indirect_dma source(%dma_start3A_52 : memref<10000x16xf32, #tpu.memory_space<hbm>>) target(%dma_start3A_46 : memref<125x16xf32, #tpu.memory_space<vmem>>) offsets(%dma_start3A_49 : memref<125xi32, #tpu.memory_space<vmem>>) semaphore(%arg16 : memref<!tpu.dma_semaphore, #tpu.memory_space<semaphore_mem>>)
      %dma_start3A_53 = arith.constant 4 : i32
      %dma_start3A_54 = arith.constant 500 : i32
      %dma_start3A_55 = arith.constant 0 : i32
      %dma_start3A_56 = tpu.memref_slice %arg14[%dma_start3A_54, %dma_start3A_55] : memref<2000x16xf32, #tpu.memory_space<vmem>> -> memref<125x16xf32, #tpu.memory_space<vmem>>
      %dma_start3A_57 = arith.constant 0 : i32
      %dma_start3A_58 = tpu.memref_slice %arg13[%dma_start3A_53, %dma_start3A_57] : memref<16x125xi32, #tpu.memory_space<vmem>> -> memref<1x125xi32, #tpu.memory_space<vmem>>
      %dma_start3A_59 = tpu.memref_squeeze %dma_start3A_58 : memref<1x125xi32, #tpu.memory_space<vmem>> -> memref<125xi32, #tpu.memory_space<vmem>>
      %dma_start3A_60 = arith.constant 0 : i32
      %dma_start3A_61 = arith.constant 0 : i32
      %dma_start3A_62 = tpu.memref_slice %arg2[%dma_start3A_60, %dma_start3A_61] : memref<10000x16xf32, #tpu.memory_space<hbm>> -> memref<10000x16xf32, #tpu.memory_space<hbm>>
      tpu.enqueue_indirect_dma source(%dma_start3A_62 : memref<10000x16xf32, #tpu.memory_space<hbm>>) target(%dma_start3A_56 : memref<125x16xf32, #tpu.memory_space<vmem>>) offsets(%dma_start3A_59 : memref<125xi32, #tpu.memory_space<vmem>>) semaphore(%arg16 : memref<!tpu.dma_semaphore, #tpu.memory_space<semaphore_mem>>)
      %dma_start3A_63 = arith.constant 5 : i32
      %dma_start3A_64 = arith.constant 625 : i32
      %dma_start3A_65 = arith.constant 0 : i32
      %dma_start3A_66 = tpu.memref_slice %arg14[%dma_start3A_64, %dma_start3A_65] : memref<2000x16xf32, #tpu.memory_space<vmem>> -> memref<125x16xf32, #tpu.memory_space<vmem>>
      %dma_start3A_67 = arith.constant 0 : i32
      %dma_start3A_68 = tpu.memref_slice %arg13[%dma_start3A_63, %dma_start3A_67] : memref<16x125xi32, #tpu.memory_space<vmem>> -> memref<1x125xi32, #tpu.memory_space<vmem>>
      %dma_start3A_69 = tpu.memref_squeeze %dma_start3A_68 : memref<1x125xi32, #tpu.memory_space<vmem>> -> memref<125xi32, #tpu.memory_space<vmem>>
      %dma_start3A_70 = arith.constant 0 : i32
      %dma_start3A_71 = arith.constant 0 : i32
      %dma_start3A_72 = tpu.memref_slice %arg2[%dma_start3A_70, %dma_start3A_71] : memref<10000x16xf32, #tpu.memory_space<hbm>> -> memref<10000x16xf32, #tpu.memory_space<hbm>>
      tpu.enqueue_indirect_dma source(%dma_start3A_72 : memref<10000x16xf32, #tpu.memory_space<hbm>>) target(%dma_start3A_66 : memref<125x16xf32, #tpu.memory_space<vmem>>) offsets(%dma_start3A_69 : memref<125xi32, #tpu.memory_space<vmem>>) semaphore(%arg16 : memref<!tpu.dma_semaphore, #tpu.memory_space<semaphore_mem>>)
      %dma_start3A_73 = arith.constant 6 : i32
      %dma_start3A_74 = arith.constant 750 : i32
      %dma_start3A_75 = arith.constant 0 : i32
      %dma_start3A_76 = tpu.memref_slice %arg14[%dma_start3A_74, %dma_start3A_75] : memref<2000x16xf32, #tpu.memory_space<vmem>> -> memref<125x16xf32, #tpu.memory_space<vmem>>
      %dma_start3A_77 = arith.constant 0 : i32
      %dma_start3A_78 = tpu.memref_slice %arg13[%dma_start3A_73, %dma_start3A_77] : memref<16x125xi32, #tpu.memory_space<vmem>> -> memref<1x125xi32, #tpu.memory_space<vmem>>
      %dma_start3A_79 = tpu.memref_squeeze %dma_start3A_78 : memref<1x125xi32, #tpu.memory_space<vmem>> -> memref<125xi32, #tpu.memory_space<vmem>>
      %dma_start3A_80 = arith.constant 0 : i32
      %dma_start3A_81 = arith.constant 0 : i32
      %dma_start3A_82 = tpu.memref_slice %arg2[%dma_start3A_80, %dma_start3A_81] : memref<10000x16xf32, #tpu.memory_space<hbm>> -> memref<10000x16xf32, #tpu.memory_space<hbm>>
      tpu.enqueue_indirect_dma source(%dma_start3A_82 : memref<10000x16xf32, #tpu.memory_space<hbm>>) target(%dma_start3A_76 : memref<125x16xf32, #tpu.memory_space<vmem>>) offsets(%dma_start3A_79 : memref<125xi32, #tpu.memory_space<vmem>>) semaphore(%arg16 : memref<!tpu.dma_semaphore, #tpu.memory_space<semaphore_mem>>)
      %dma_start3A_83 = arith.constant 7 : i32
      %dma_start3A_84 = arith.constant 875 : i32
      %dma_start3A_85 = arith.constant 0 : i32
      %dma_start3A_86 = tpu.memref_slice %arg14[%dma_start3A_84, %dma_start3A_85] : memref<2000x16xf32, #tpu.memory_space<vmem>> -> memref<125x16xf32, #tpu.memory_space<vmem>>
      %dma_start3A_87 = arith.constant 0 : i32
      %dma_start3A_88 = tpu.memref_slice %arg13[%dma_start3A_83, %dma_start3A_87] : memref<16x125xi32, #tpu.memory_space<vmem>> -> memref<1x125xi32, #tpu.memory_space<vmem>>
      %dma_start3A_89 = tpu.memref_squeeze %dma_start3A_88 : memref<1x125xi32, #tpu.memory_space<vmem>> -> memref<125xi32, #tpu.memory_space<vmem>>
      %dma_start3A_90 = arith.constant 0 : i32
      %dma_start3A_91 = arith.constant 0 : i32
      %dma_start3A_92 = tpu.memref_slice %arg2[%dma_start3A_90, %dma_start3A_91] : memref<10000x16xf32, #tpu.memory_space<hbm>> -> memref<10000x16xf32, #tpu.memory_space<hbm>>
      tpu.enqueue_indirect_dma source(%dma_start3A_92 : memref<10000x16xf32, #tpu.memory_space<hbm>>) target(%dma_start3A_86 : memref<125x16xf32, #tpu.memory_space<vmem>>) offsets(%dma_start3A_89 : memref<125xi32, #tpu.memory_space<vmem>>) semaphore(%arg16 : memref<!tpu.dma_semaphore, #tpu.memory_space<semaphore_mem>>)
      %dma_start3A_93 = arith.constant 8 : i32
      %dma_start3A_94 = arith.constant 1000 : i32
      %dma_start3A_95 = arith.constant 0 : i32
      %dma_start3A_96 = tpu.memref_slice %arg14[%dma_start3A_94, %dma_start3A_95] : memref<2000x16xf32, #tpu.memory_space<vmem>> -> memref<125x16xf32, #tpu.memory_space<vmem>>
      %dma_start3A_97 = arith.constant 0 : i32
      %dma_start3A_98 = tpu.memref_slice %arg13[%dma_start3A_93, %dma_start3A_97] : memref<16x125xi32, #tpu.memory_space<vmem>> -> memref<1x125xi32, #tpu.memory_space<vmem>>
      %dma_start3A_99 = tpu.memref_squeeze %dma_start3A_98 : memref<1x125xi32, #tpu.memory_space<vmem>> -> memref<125xi32, #tpu.memory_space<vmem>>
      %dma_start3A_100 = arith.constant 0 : i32
      %dma_start3A_101 = arith.constant 0 : i32
      %dma_start3A_102 = tpu.memref_slice %arg2[%dma_start3A_100, %dma_start3A_101] : memref<10000x16xf32, #tpu.memory_space<hbm>> -> memref<10000x16xf32, #tpu.memory_space<hbm>>
      tpu.enqueue_indirect_dma source(%dma_start3A_102 : memref<10000x16xf32, #tpu.memory_space<hbm>>) target(%dma_start3A_96 : memref<125x16xf32, #tpu.memory_space<vmem>>) offsets(%dma_start3A_99 : memref<125xi32, #tpu.memory_space<vmem>>) semaphore(%arg16 : memref<!tpu.dma_semaphore, #tpu.memory_space<semaphore_mem>>)
      %dma_start3A_103 = arith.constant 9 : i32
      %dma_start3A_104 = arith.constant 1125 : i32
      %dma_start3A_105 = arith.constant 0 : i32
      %dma_start3A_106 = tpu.memref_slice %arg14[%dma_start3A_104, %dma_start3A_105] : memref<2000x16xf32, #tpu.memory_space<vmem>> -> memref<125x16xf32, #tpu.memory_space<vmem>>
      %dma_start3A_107 = arith.constant 0 : i32
      %dma_start3A_108 = tpu.memref_slice %arg13[%dma_start3A_103, %dma_start3A_107] : memref<16x125xi32, #tpu.memory_space<vmem>> -> memref<1x125xi32, #tpu.memory_space<vmem>>
      %dma_start3A_109 = tpu.memref_squeeze %dma_start3A_108 : memref<1x125xi32, #tpu.memory_space<vmem>> -> memref<125xi32, #tpu.memory_space<vmem>>
      %dma_start3A_110 = arith.constant 0 : i32
      %dma_start3A_111 = arith.constant 0 : i32
      %dma_start3A_112 = tpu.memref_slice %arg2[%dma_start3A_110, %dma_start3A_111] : memref<10000x16xf32, #tpu.memory_space<hbm>> -> memref<10000x16xf32, #tpu.memory_space<hbm>>
      tpu.enqueue_indirect_dma source(%dma_start3A_112 : memref<10000x16xf32, #tpu.memory_space<hbm>>) target(%dma_start3A_106 : memref<125x16xf32, #tpu.memory_space<vmem>>) offsets(%dma_start3A_109 : memref<125xi32, #tpu.memory_space<vmem>>) semaphore(%arg16 : memref<!tpu.dma_semaphore, #tpu.memory_space<semaphore_mem>>)
      %dma_start3A_113 = arith.constant 10 : i32
      %dma_start3A_114 = arith.constant 1250 : i32
      %dma_start3A_115 = arith.constant 0 : i32
      %dma_start3A_116 = tpu.memref_slice %arg14[%dma_start3A_114, %dma_start3A_115] : memref<2000x16xf32, #tpu.memory_space<vmem>> -> memref<125x16xf32, #tpu.memory_space<vmem>>
      %dma_start3A_117 = arith.constant 0 : i32
      %dma_start3A_118 = tpu.memref_slice %arg13[%dma_start3A_113, %dma_start3A_117] : memref<16x125xi32, #tpu.memory_space<vmem>> -> memref<1x125xi32, #tpu.memory_space<vmem>>
      %dma_start3A_119 = tpu.memref_squeeze %dma_start3A_118 : memref<1x125xi32, #tpu.memory_space<vmem>> -> memref<125xi32, #tpu.memory_space<vmem>>
      %dma_start3A_120 = arith.constant 0 : i32
      %dma_start3A_121 = arith.constant 0 : i32
      %dma_start3A_122 = tpu.memref_slice %arg2[%dma_start3A_120, %dma_start3A_121] : memref<10000x16xf32, #tpu.memory_space<hbm>> -> memref<10000x16xf32, #tpu.memory_space<hbm>>
      tpu.enqueue_indirect_dma source(%dma_start3A_122 : memref<10000x16xf32, #tpu.memory_space<hbm>>) target(%dma_start3A_116 : memref<125x16xf32, #tpu.memory_space<vmem>>) offsets(%dma_start3A_119 : memref<125xi32, #tpu.memory_space<vmem>>) semaphore(%arg16 : memref<!tpu.dma_semaphore, #tpu.memory_space<semaphore_mem>>)
      %dma_start3A_123 = arith.constant 11 : i32
      %dma_start3A_124 = arith.constant 1375 : i32
      %dma_start3A_125 = arith.constant 0 : i32
      %dma_start3A_126 = tpu.memref_slice %arg14[%dma_start3A_124, %dma_start3A_125] : memref<2000x16xf32, #tpu.memory_space<vmem>> -> memref<125x16xf32, #tpu.memory_space<vmem>>
      %dma_start3A_127 = arith.constant 0 : i32
      %dma_start3A_128 = tpu.memref_slice %arg13[%dma_start3A_123, %dma_start3A_127] : memref<16x125xi32, #tpu.memory_space<vmem>> -> memref<1x125xi32, #tpu.memory_space<vmem>>
      %dma_start3A_129 = tpu.memref_squeeze %dma_start3A_128 : memref<1x125xi32, #tpu.memory_space<vmem>> -> memref<125xi32, #tpu.memory_space<vmem>>
      %dma_start3A_130 = arith.constant 0 : i32
      %dma_start3A_131 = arith.constant 0 : i32
      %dma_start3A_132 = tpu.memref_slice %arg2[%dma_start3A_130, %dma_start3A_131] : memref<10000x16xf32, #tpu.memory_space<hbm>> -> memref<10000x16xf32, #tpu.memory_space<hbm>>
      tpu.enqueue_indirect_dma source(%dma_start3A_132 : memref<10000x16xf32, #tpu.memory_space<hbm>>) target(%dma_start3A_126 : memref<125x16xf32, #tpu.memory_space<vmem>>) offsets(%dma_start3A_129 : memref<125xi32, #tpu.memory_space<vmem>>) semaphore(%arg16 : memref<!tpu.dma_semaphore, #tpu.memory_space<semaphore_mem>>)
      %dma_start3A_133 = arith.constant 12 : i32
      %dma_start3A_134 = arith.constant 1500 : i32
      %dma_start3A_135 = arith.constant 0 : i32
      %dma_start3A_136 = tpu.memref_slice %arg14[%dma_start3A_134, %dma_start3A_135] : memref<2000x16xf32, #tpu.memory_space<vmem>> -> memref<125x16xf32, #tpu.memory_space<vmem>>
      %dma_start3A_137 = arith.constant 0 : i32
      %dma_start3A_138 = tpu.memref_slice %arg13[%dma_start3A_133, %dma_start3A_137] : memref<16x125xi32, #tpu.memory_space<vmem>> -> memref<1x125xi32, #tpu.memory_space<vmem>>
      %dma_start3A_139 = tpu.memref_squeeze %dma_start3A_138 : memref<1x125xi32, #tpu.memory_space<vmem>> -> memref<125xi32, #tpu.memory_space<vmem>>
      %dma_start3A_140 = arith.constant 0 : i32
      %dma_start3A_141 = arith.constant 0 : i32
      %dma_start3A_142 = tpu.memref_slice %arg2[%dma_start3A_140, %dma_start3A_141] : memref<10000x16xf32, #tpu.memory_space<hbm>> -> memref<10000x16xf32, #tpu.memory_space<hbm>>
      tpu.enqueue_indirect_dma source(%dma_start3A_142 : memref<10000x16xf32, #tpu.memory_space<hbm>>) target(%dma_start3A_136 : memref<125x16xf32, #tpu.memory_space<vmem>>) offsets(%dma_start3A_139 : memref<125xi32, #tpu.memory_space<vmem>>) semaphore(%arg16 : memref<!tpu.dma_semaphore, #tpu.memory_space<semaphore_mem>>)
      %dma_start3A_143 = arith.constant 13 : i32
      %dma_start3A_144 = arith.constant 1625 : i32
      %dma_start3A_145 = arith.constant 0 : i32
      %dma_start3A_146 = tpu.memref_slice %arg14[%dma_start3A_144, %dma_start3A_145] : memref<2000x16xf32, #tpu.memory_space<vmem>> -> memref<125x16xf32, #tpu.memory_space<vmem>>
      %dma_start3A_147 = arith.constant 0 : i32
      %dma_start3A_148 = tpu.memref_slice %arg13[%dma_start3A_143, %dma_start3A_147] : memref<16x125xi32, #tpu.memory_space<vmem>> -> memref<1x125xi32, #tpu.memory_space<vmem>>
      %dma_start3A_149 = tpu.memref_squeeze %dma_start3A_148 : memref<1x125xi32, #tpu.memory_space<vmem>> -> memref<125xi32, #tpu.memory_space<vmem>>
      %dma_start3A_150 = arith.constant 0 : i32
      %dma_start3A_151 = arith.constant 0 : i32
      %dma_start3A_152 = tpu.memref_slice %arg2[%dma_start3A_150, %dma_start3A_151] : memref<10000x16xf32, #tpu.memory_space<hbm>> -> memref<10000x16xf32, #tpu.memory_space<hbm>>
      tpu.enqueue_indirect_dma source(%dma_start3A_152 : memref<10000x16xf32, #tpu.memory_space<hbm>>) target(%dma_start3A_146 : memref<125x16xf32, #tpu.memory_space<vmem>>) offsets(%dma_start3A_149 : memref<125xi32, #tpu.memory_space<vmem>>) semaphore(%arg16 : memref<!tpu.dma_semaphore, #tpu.memory_space<semaphore_mem>>)
      %dma_start3A_153 = arith.constant 14 : i32
      %dma_start3A_154 = arith.constant 1750 : i32
      %dma_start3A_155 = arith.constant 0 : i32
      %dma_start3A_156 = tpu.memref_slice %arg14[%dma_start3A_154, %dma_start3A_155] : memref<2000x16xf32, #tpu.memory_space<vmem>> -> memref<125x16xf32, #tpu.memory_space<vmem>>
      %dma_start3A_157 = arith.constant 0 : i32
      %dma_start3A_158 = tpu.memref_slice %arg13[%dma_start3A_153, %dma_start3A_157] : memref<16x125xi32, #tpu.memory_space<vmem>> -> memref<1x125xi32, #tpu.memory_space<vmem>>
      %dma_start3A_159 = tpu.memref_squeeze %dma_start3A_158 : memref<1x125xi32, #tpu.memory_space<vmem>> -> memref<125xi32, #tpu.memory_space<vmem>>
      %dma_start3A_160 = arith.constant 0 : i32
      %dma_start3A_161 = arith.constant 0 : i32
      %dma_start3A_162 = tpu.memref_slice %arg2[%dma_start3A_160, %dma_start3A_161] : memref<10000x16xf32, #tpu.memory_space<hbm>> -> memref<10000x16xf32, #tpu.memory_space<hbm>>
      tpu.enqueue_indirect_dma source(%dma_start3A_162 : memref<10000x16xf32, #tpu.memory_space<hbm>>) target(%dma_start3A_156 : memref<125x16xf32, #tpu.memory_space<vmem>>) offsets(%dma_start3A_159 : memref<125xi32, #tpu.memory_space<vmem>>) semaphore(%arg16 : memref<!tpu.dma_semaphore, #tpu.memory_space<semaphore_mem>>)
      %dma_start3A_163 = arith.constant 15 : i32
      %dma_start3A_164 = arith.constant 1875 : i32
      %dma_start3A_165 = arith.constant 0 : i32
      %dma_start3A_166 = tpu.memref_slice %arg14[%dma_start3A_164, %dma_start3A_165] : memref<2000x16xf32, #tpu.memory_space<vmem>> -> memref<125x16xf32, #tpu.memory_space<vmem>>
      %dma_start3A_167 = arith.constant 0 : i32
      %dma_start3A_168 = tpu.memref_slice %arg13[%dma_start3A_163, %dma_start3A_167] : memref<16x125xi32, #tpu.memory_space<vmem>> -> memref<1x125xi32, #tpu.memory_space<vmem>>
      %dma_start3A_169 = tpu.memref_squeeze %dma_start3A_168 : memref<1x125xi32, #tpu.memory_space<vmem>> -> memref<125xi32, #tpu.memory_space<vmem>>
      %dma_start3A_170 = arith.constant 0 : i32
      %dma_start3A_171 = arith.constant 0 : i32
      %dma_start3A_172 = tpu.memref_slice %arg2[%dma_start3A_170, %dma_start3A_171] : memref<10000x16xf32, #tpu.memory_space<hbm>> -> memref<10000x16xf32, #tpu.memory_space<hbm>>
      tpu.enqueue_indirect_dma source(%dma_start3A_172 : memref<10000x16xf32, #tpu.memory_space<hbm>>) target(%dma_start3A_166 : memref<125x16xf32, #tpu.memory_space<vmem>>) offsets(%dma_start3A_169 : memref<125xi32, #tpu.memory_space<vmem>>) semaphore(%arg16 : memref<!tpu.dma_semaphore, #tpu.memory_space<semaphore_mem>>)
      %dma_wait3A = arith.constant 0 : i32
      %dma_wait3A_173 = arith.constant 0 : i32
      %dma_wait3A_174 = arith.constant 0 : i32
      %dma_wait3A_175 = tpu.memref_slice %arg14[%dma_wait3A_173, %dma_wait3A_174] : memref<2000x16xf32, #tpu.memory_space<vmem>> -> memref<125x16xf32, #tpu.memory_space<vmem>>
      %dma_wait3A_176 = arith.constant 0 : i32
      %dma_wait3A_177 = tpu.memref_slice %arg13[%dma_wait3A, %dma_wait3A_176] : memref<16x125xi32, #tpu.memory_space<vmem>> -> memref<1x125xi32, #tpu.memory_space<vmem>>
      %dma_wait3A_178 = tpu.memref_squeeze %dma_wait3A_177 : memref<1x125xi32, #tpu.memory_space<vmem>> -> memref<125xi32, #tpu.memory_space<vmem>>
      %dma_wait3A_179 = arith.constant 0 : i32
      %dma_wait3A_180 = arith.constant 0 : i32
      %dma_wait3A_181 = tpu.memref_slice %arg2[%dma_wait3A_179, %dma_wait3A_180] : memref<10000x16xf32, #tpu.memory_space<hbm>> -> memref<10000x16xf32, #tpu.memory_space<hbm>>
      tpu.wait_indirect_dma semaphore(%arg16 : memref<!tpu.dma_semaphore, #tpu.memory_space<semaphore_mem>>) src(%dma_wait3A_181 : memref<10000x16xf32, #tpu.memory_space<hbm>>) dst(%dma_wait3A_175 : memref<125x16xf32, #tpu.memory_space<vmem>>)
      %dma_wait3A_182 = arith.constant 1 : i32
      %dma_wait3A_183 = arith.constant 125 : i32
      %dma_wait3A_184 = arith.constant 0 : i32
      %dma_wait3A_185 = tpu.memref_slice %arg14[%dma_wait3A_183, %dma_wait3A_184] : memref<2000x16xf32, #tpu.memory_space<vmem>> -> memref<125x16xf32, #tpu.memory_space<vmem>>
      %dma_wait3A_186 = arith.constant 0 : i32
      %dma_wait3A_187 = tpu.memref_slice %arg13[%dma_wait3A_182, %dma_wait3A_186] : memref<16x125xi32, #tpu.memory_space<vmem>> -> memref<1x125xi32, #tpu.memory_space<vmem>>
      %dma_wait3A_188 = tpu.memref_squeeze %dma_wait3A_187 : memref<1x125xi32, #tpu.memory_space<vmem>> -> memref<125xi32, #tpu.memory_space<vmem>>
      %dma_wait3A_189 = arith.constant 0 : i32
      %dma_wait3A_190 = arith.constant 0 : i32
      %dma_wait3A_191 = tpu.memref_slice %arg2[%dma_wait3A_189, %dma_wait3A_190] : memref<10000x16xf32, #tpu.memory_space<hbm>> -> memref<10000x16xf32, #tpu.memory_space<hbm>>
      tpu.wait_indirect_dma semaphore(%arg16 : memref<!tpu.dma_semaphore, #tpu.memory_space<semaphore_mem>>) src(%dma_wait3A_191 : memref<10000x16xf32, #tpu.memory_space<hbm>>) dst(%dma_wait3A_185 : memref<125x16xf32, #tpu.memory_space<vmem>>)
      %dma_wait3A_192 = arith.constant 2 : i32
      %dma_wait3A_193 = arith.constant 250 : i32
      %dma_wait3A_194 = arith.constant 0 : i32
      %dma_wait3A_195 = tpu.memref_slice %arg14[%dma_wait3A_193, %dma_wait3A_194] : memref<2000x16xf32, #tpu.memory_space<vmem>> -> memref<125x16xf32, #tpu.memory_space<vmem>>
      %dma_wait3A_196 = arith.constant 0 : i32
      %dma_wait3A_197 = tpu.memref_slice %arg13[%dma_wait3A_192, %dma_wait3A_196] : memref<16x125xi32, #tpu.memory_space<vmem>> -> memref<1x125xi32, #tpu.memory_space<vmem>>
      %dma_wait3A_198 = tpu.memref_squeeze %dma_wait3A_197 : memref<1x125xi32, #tpu.memory_space<vmem>> -> memref<125xi32, #tpu.memory_space<vmem>>
      %dma_wait3A_199 = arith.constant 0 : i32
      %dma_wait3A_200 = arith.constant 0 : i32
      %dma_wait3A_201 = tpu.memref_slice %arg2[%dma_wait3A_199, %dma_wait3A_200] : memref<10000x16xf32, #tpu.memory_space<hbm>> -> memref<10000x16xf32, #tpu.memory_space<hbm>>
      tpu.wait_indirect_dma semaphore(%arg16 : memref<!tpu.dma_semaphore, #tpu.memory_space<semaphore_mem>>) src(%dma_wait3A_201 : memref<10000x16xf32, #tpu.memory_space<hbm>>) dst(%dma_wait3A_195 : memref<125x16xf32, #tpu.memory_space<vmem>>)
      %dma_wait3A_202 = arith.constant 3 : i32
      %dma_wait3A_203 = arith.constant 375 : i32
      %dma_wait3A_204 = arith.constant 0 : i32
      %dma_wait3A_205 = tpu.memref_slice %arg14[%dma_wait3A_203, %dma_wait3A_204] : memref<2000x16xf32, #tpu.memory_space<vmem>> -> memref<125x16xf32, #tpu.memory_space<vmem>>
      %dma_wait3A_206 = arith.constant 0 : i32
      %dma_wait3A_207 = tpu.memref_slice %arg13[%dma_wait3A_202, %dma_wait3A_206] : memref<16x125xi32, #tpu.memory_space<vmem>> -> memref<1x125xi32, #tpu.memory_space<vmem>>
      %dma_wait3A_208 = tpu.memref_squeeze %dma_wait3A_207 : memref<1x125xi32, #tpu.memory_space<vmem>> -> memref<125xi32, #tpu.memory_space<vmem>>
      %dma_wait3A_209 = arith.constant 0 : i32
      %dma_wait3A_210 = arith.constant 0 : i32
      %dma_wait3A_211 = tpu.memref_slice %arg2[%dma_wait3A_209, %dma_wait3A_210] : memref<10000x16xf32, #tpu.memory_space<hbm>> -> memref<10000x16xf32, #tpu.memory_space<hbm>>
      tpu.wait_indirect_dma semaphore(%arg16 : memref<!tpu.dma_semaphore, #tpu.memory_space<semaphore_mem>>) src(%dma_wait3A_211 : memref<10000x16xf32, #tpu.memory_space<hbm>>) dst(%dma_wait3A_205 : memref<125x16xf32, #tpu.memory_space<vmem>>)
      %dma_wait3A_212 = arith.constant 4 : i32
      %dma_wait3A_213 = arith.constant 500 : i32
      %dma_wait3A_214 = arith.constant 0 : i32
      %dma_wait3A_215 = tpu.memref_slice %arg14[%dma_wait3A_213, %dma_wait3A_214] : memref<2000x16xf32, #tpu.memory_space<vmem>> -> memref<125x16xf32, #tpu.memory_space<vmem>>
      %dma_wait3A_216 = arith.constant 0 : i32
      %dma_wait3A_217 = tpu.memref_slice %arg13[%dma_wait3A_212, %dma_wait3A_216] : memref<16x125xi32, #tpu.memory_space<vmem>> -> memref<1x125xi32, #tpu.memory_space<vmem>>
      %dma_wait3A_218 = tpu.memref_squeeze %dma_wait3A_217 : memref<1x125xi32, #tpu.memory_space<vmem>> -> memref<125xi32, #tpu.memory_space<vmem>>
      %dma_wait3A_219 = arith.constant 0 : i32
      %dma_wait3A_220 = arith.constant 0 : i32
      %dma_wait3A_221 = tpu.memref_slice %arg2[%dma_wait3A_219, %dma_wait3A_220] : memref<10000x16xf32, #tpu.memory_space<hbm>> -> memref<10000x16xf32, #tpu.memory_space<hbm>>
      tpu.wait_indirect_dma semaphore(%arg16 : memref<!tpu.dma_semaphore, #tpu.memory_space<semaphore_mem>>) src(%dma_wait3A_221 : memref<10000x16xf32, #tpu.memory_space<hbm>>) dst(%dma_wait3A_215 : memref<125x16xf32, #tpu.memory_space<vmem>>)
      %dma_wait3A_222 = arith.constant 5 : i32
      %dma_wait3A_223 = arith.constant 625 : i32
      %dma_wait3A_224 = arith.constant 0 : i32
      %dma_wait3A_225 = tpu.memref_slice %arg14[%dma_wait3A_223, %dma_wait3A_224] : memref<2000x16xf32, #tpu.memory_space<vmem>> -> memref<125x16xf32, #tpu.memory_space<vmem>>
      %dma_wait3A_226 = arith.constant 0 : i32
      %dma_wait3A_227 = tpu.memref_slice %arg13[%dma_wait3A_222, %dma_wait3A_226] : memref<16x125xi32, #tpu.memory_space<vmem>> -> memref<1x125xi32, #tpu.memory_space<vmem>>
      %dma_wait3A_228 = tpu.memref_squeeze %dma_wait3A_227 : memref<1x125xi32, #tpu.memory_space<vmem>> -> memref<125xi32, #tpu.memory_space<vmem>>
      %dma_wait3A_229 = arith.constant 0 : i32
      %dma_wait3A_230 = arith.constant 0 : i32
      %dma_wait3A_231 = tpu.memref_slice %arg2[%dma_wait3A_229, %dma_wait3A_230] : memref<10000x16xf32, #tpu.memory_space<hbm>> -> memref<10000x16xf32, #tpu.memory_space<hbm>>
      tpu.wait_indirect_dma semaphore(%arg16 : memref<!tpu.dma_semaphore, #tpu.memory_space<semaphore_mem>>) src(%dma_wait3A_231 : memref<10000x16xf32, #tpu.memory_space<hbm>>) dst(%dma_wait3A_225 : memref<125x16xf32, #tpu.memory_space<vmem>>)
      %dma_wait3A_232 = arith.constant 6 : i32
      %dma_wait3A_233 = arith.constant 750 : i32
      %dma_wait3A_234 = arith.constant 0 : i32
      %dma_wait3A_235 = tpu.memref_slice %arg14[%dma_wait3A_233, %dma_wait3A_234] : memref<2000x16xf32, #tpu.memory_space<vmem>> -> memref<125x16xf32, #tpu.memory_space<vmem>>
      %dma_wait3A_236 = arith.constant 0 : i32
      %dma_wait3A_237 = tpu.memref_slice %arg13[%dma_wait3A_232, %dma_wait3A_236] : memref<16x125xi32, #tpu.memory_space<vmem>> -> memref<1x125xi32, #tpu.memory_space<vmem>>
      %dma_wait3A_238 = tpu.memref_squeeze %dma_wait3A_237 : memref<1x125xi32, #tpu.memory_space<vmem>> -> memref<125xi32, #tpu.memory_space<vmem>>
      %dma_wait3A_239 = arith.constant 0 : i32
      %dma_wait3A_240 = arith.constant 0 : i32
      %dma_wait3A_241 = tpu.memref_slice %arg2[%dma_wait3A_239, %dma_wait3A_240] : memref<10000x16xf32, #tpu.memory_space<hbm>> -> memref<10000x16xf32, #tpu.memory_space<hbm>>
      tpu.wait_indirect_dma semaphore(%arg16 : memref<!tpu.dma_semaphore, #tpu.memory_space<semaphore_mem>>) src(%dma_wait3A_241 : memref<10000x16xf32, #tpu.memory_space<hbm>>) dst(%dma_wait3A_235 : memref<125x16xf32, #tpu.memory_space<vmem>>)
      %dma_wait3A_242 = arith.constant 7 : i32
      %dma_wait3A_243 = arith.constant 875 : i32
      %dma_wait3A_244 = arith.constant 0 : i32
      %dma_wait3A_245 = tpu.memref_slice %arg14[%dma_wait3A_243, %dma_wait3A_244] : memref<2000x16xf32, #tpu.memory_space<vmem>> -> memref<125x16xf32, #tpu.memory_space<vmem>>
      %dma_wait3A_246 = arith.constant 0 : i32
      %dma_wait3A_247 = tpu.memref_slice %arg13[%dma_wait3A_242, %dma_wait3A_246] : memref<16x125xi32, #tpu.memory_space<vmem>> -> memref<1x125xi32, #tpu.memory_space<vmem>>
      %dma_wait3A_248 = tpu.memref_squeeze %dma_wait3A_247 : memref<1x125xi32, #tpu.memory_space<vmem>> -> memref<125xi32, #tpu.memory_space<vmem>>
      %dma_wait3A_249 = arith.constant 0 : i32
      %dma_wait3A_250 = arith.constant 0 : i32
      %dma_wait3A_251 = tpu.memref_slice %arg2[%dma_wait3A_249, %dma_wait3A_250] : memref<10000x16xf32, #tpu.memory_space<hbm>> -> memref<10000x16xf32, #tpu.memory_space<hbm>>
      tpu.wait_indirect_dma semaphore(%arg16 : memref<!tpu.dma_semaphore, #tpu.memory_space<semaphore_mem>>) src(%dma_wait3A_251 : memref<10000x16xf32, #tpu.memory_space<hbm>>) dst(%dma_wait3A_245 : memref<125x16xf32, #tpu.memory_space<vmem>>)
      %dma_wait3A_252 = arith.constant 8 : i32
      %dma_wait3A_253 = arith.constant 1000 : i32
      %dma_wait3A_254 = arith.constant 0 : i32
      %dma_wait3A_255 = tpu.memref_slice %arg14[%dma_wait3A_253, %dma_wait3A_254] : memref<2000x16xf32, #tpu.memory_space<vmem>> -> memref<125x16xf32, #tpu.memory_space<vmem>>
      %dma_wait3A_256 = arith.constant 0 : i32
      %dma_wait3A_257 = tpu.memref_slice %arg13[%dma_wait3A_252, %dma_wait3A_256] : memref<16x125xi32, #tpu.memory_space<vmem>> -> memref<1x125xi32, #tpu.memory_space<vmem>>
      %dma_wait3A_258 = tpu.memref_squeeze %dma_wait3A_257 : memref<1x125xi32, #tpu.memory_space<vmem>> -> memref<125xi32, #tpu.memory_space<vmem>>
      %dma_wait3A_259 = arith.constant 0 : i32
      %dma_wait3A_260 = arith.constant 0 : i32
      %dma_wait3A_261 = tpu.memref_slice %arg2[%dma_wait3A_259, %dma_wait3A_260] : memref<10000x16xf32, #tpu.memory_space<hbm>> -> memref<10000x16xf32, #tpu.memory_space<hbm>>
      tpu.wait_indirect_dma semaphore(%arg16 : memref<!tpu.dma_semaphore, #tpu.memory_space<semaphore_mem>>) src(%dma_wait3A_261 : memref<10000x16xf32, #tpu.memory_space<hbm>>) dst(%dma_wait3A_255 : memref<125x16xf32, #tpu.memory_space<vmem>>)
      %dma_wait3A_262 = arith.constant 9 : i32
      %dma_wait3A_263 = arith.constant 1125 : i32
      %dma_wait3A_264 = arith.constant 0 : i32
      %dma_wait3A_265 = tpu.memref_slice %arg14[%dma_wait3A_263, %dma_wait3A_264] : memref<2000x16xf32, #tpu.memory_space<vmem>> -> memref<125x16xf32, #tpu.memory_space<vmem>>
      %dma_wait3A_266 = arith.constant 0 : i32
      %dma_wait3A_267 = tpu.memref_slice %arg13[%dma_wait3A_262, %dma_wait3A_266] : memref<16x125xi32, #tpu.memory_space<vmem>> -> memref<1x125xi32, #tpu.memory_space<vmem>>
      %dma_wait3A_268 = tpu.memref_squeeze %dma_wait3A_267 : memref<1x125xi32, #tpu.memory_space<vmem>> -> memref<125xi32, #tpu.memory_space<vmem>>
      %dma_wait3A_269 = arith.constant 0 : i32
      %dma_wait3A_270 = arith.constant 0 : i32
      %dma_wait3A_271 = tpu.memref_slice %arg2[%dma_wait3A_269, %dma_wait3A_270] : memref<10000x16xf32, #tpu.memory_space<hbm>> -> memref<10000x16xf32, #tpu.memory_space<hbm>>
      tpu.wait_indirect_dma semaphore(%arg16 : memref<!tpu.dma_semaphore, #tpu.memory_space<semaphore_mem>>) src(%dma_wait3A_271 : memref<10000x16xf32, #tpu.memory_space<hbm>>) dst(%dma_wait3A_265 : memref<125x16xf32, #tpu.memory_space<vmem>>)
      %dma_wait3A_272 = arith.constant 10 : i32
      %dma_wait3A_273 = arith.constant 1250 : i32
      %dma_wait3A_274 = arith.constant 0 : i32
      %dma_wait3A_275 = tpu.memref_slice %arg14[%dma_wait3A_273, %dma_wait3A_274] : memref<2000x16xf32, #tpu.memory_space<vmem>> -> memref<125x16xf32, #tpu.memory_space<vmem>>
      %dma_wait3A_276 = arith.constant 0 : i32
      %dma_wait3A_277 = tpu.memref_slice %arg13[%dma_wait3A_272, %dma_wait3A_276] : memref<16x125xi32, #tpu.memory_space<vmem>> -> memref<1x125xi32, #tpu.memory_space<vmem>>
      %dma_wait3A_278 = tpu.memref_squeeze %dma_wait3A_277 : memref<1x125xi32, #tpu.memory_space<vmem>> -> memref<125xi32, #tpu.memory_space<vmem>>
      %dma_wait3A_279 = arith.constant 0 : i32
      %dma_wait3A_280 = arith.constant 0 : i32
      %dma_wait3A_281 = tpu.memref_slice %arg2[%dma_wait3A_279, %dma_wait3A_280] : memref<10000x16xf32, #tpu.memory_space<hbm>> -> memref<10000x16xf32, #tpu.memory_space<hbm>>
      tpu.wait_indirect_dma semaphore(%arg16 : memref<!tpu.dma_semaphore, #tpu.memory_space<semaphore_mem>>) src(%dma_wait3A_281 : memref<10000x16xf32, #tpu.memory_space<hbm>>) dst(%dma_wait3A_275 : memref<125x16xf32, #tpu.memory_space<vmem>>)
      %dma_wait3A_282 = arith.constant 11 : i32
      %dma_wait3A_283 = arith.constant 1375 : i32
      %dma_wait3A_284 = arith.constant 0 : i32
      %dma_wait3A_285 = tpu.memref_slice %arg14[%dma_wait3A_283, %dma_wait3A_284] : memref<2000x16xf32, #tpu.memory_space<vmem>> -> memref<125x16xf32, #tpu.memory_space<vmem>>
      %dma_wait3A_286 = arith.constant 0 : i32
      %dma_wait3A_287 = tpu.memref_slice %arg13[%dma_wait3A_282, %dma_wait3A_286] : memref<16x125xi32, #tpu.memory_space<vmem>> -> memref<1x125xi32, #tpu.memory_space<vmem>>
      %dma_wait3A_288 = tpu.memref_squeeze %dma_wait3A_287 : memref<1x125xi32, #tpu.memory_space<vmem>> -> memref<125xi32, #tpu.memory_space<vmem>>
      %dma_wait3A_289 = arith.constant 0 : i32
      %dma_wait3A_290 = arith.constant 0 : i32
      %dma_wait3A_291 = tpu.memref_slice %arg2[%dma_wait3A_289, %dma_wait3A_290] : memref<10000x16xf32, #tpu.memory_space<hbm>> -> memref<10000x16xf32, #tpu.memory_space<hbm>>
      tpu.wait_indirect_dma semaphore(%arg16 : memref<!tpu.dma_semaphore, #tpu.memory_space<semaphore_mem>>) src(%dma_wait3A_291 : memref<10000x16xf32, #tpu.memory_space<hbm>>) dst(%dma_wait3A_285 : memref<125x16xf32, #tpu.memory_space<vmem>>)
      %dma_wait3A_292 = arith.constant 12 : i32
      %dma_wait3A_293 = arith.constant 1500 : i32
      %dma_wait3A_294 = arith.constant 0 : i32
      %dma_wait3A_295 = tpu.memref_slice %arg14[%dma_wait3A_293, %dma_wait3A_294] : memref<2000x16xf32, #tpu.memory_space<vmem>> -> memref<125x16xf32, #tpu.memory_space<vmem>>
      %dma_wait3A_296 = arith.constant 0 : i32
      %dma_wait3A_297 = tpu.memref_slice %arg13[%dma_wait3A_292, %dma_wait3A_296] : memref<16x125xi32, #tpu.memory_space<vmem>> -> memref<1x125xi32, #tpu.memory_space<vmem>>
      %dma_wait3A_298 = tpu.memref_squeeze %dma_wait3A_297 : memref<1x125xi32, #tpu.memory_space<vmem>> -> memref<125xi32, #tpu.memory_space<vmem>>
      %dma_wait3A_299 = arith.constant 0 : i32
      %dma_wait3A_300 = arith.constant 0 : i32
      %dma_wait3A_301 = tpu.memref_slice %arg2[%dma_wait3A_299, %dma_wait3A_300] : memref<10000x16xf32, #tpu.memory_space<hbm>> -> memref<10000x16xf32, #tpu.memory_space<hbm>>
      tpu.wait_indirect_dma semaphore(%arg16 : memref<!tpu.dma_semaphore, #tpu.memory_space<semaphore_mem>>) src(%dma_wait3A_301 : memref<10000x16xf32, #tpu.memory_space<hbm>>) dst(%dma_wait3A_295 : memref<125x16xf32, #tpu.memory_space<vmem>>)
      %dma_wait3A_302 = arith.constant 13 : i32
      %dma_wait3A_303 = arith.constant 1625 : i32
      %dma_wait3A_304 = arith.constant 0 : i32
      %dma_wait3A_305 = tpu.memref_slice %arg14[%dma_wait3A_303, %dma_wait3A_304] : memref<2000x16xf32, #tpu.memory_space<vmem>> -> memref<125x16xf32, #tpu.memory_space<vmem>>
      %dma_wait3A_306 = arith.constant 0 : i32
      %dma_wait3A_307 = tpu.memref_slice %arg13[%dma_wait3A_302, %dma_wait3A_306] : memref<16x125xi32, #tpu.memory_space<vmem>> -> memref<1x125xi32, #tpu.memory_space<vmem>>
      %dma_wait3A_308 = tpu.memref_squeeze %dma_wait3A_307 : memref<1x125xi32, #tpu.memory_space<vmem>> -> memref<125xi32, #tpu.memory_space<vmem>>
      %dma_wait3A_309 = arith.constant 0 : i32
      %dma_wait3A_310 = arith.constant 0 : i32
      %dma_wait3A_311 = tpu.memref_slice %arg2[%dma_wait3A_309, %dma_wait3A_310] : memref<10000x16xf32, #tpu.memory_space<hbm>> -> memref<10000x16xf32, #tpu.memory_space<hbm>>
      tpu.wait_indirect_dma semaphore(%arg16 : memref<!tpu.dma_semaphore, #tpu.memory_space<semaphore_mem>>) src(%dma_wait3A_311 : memref<10000x16xf32, #tpu.memory_space<hbm>>) dst(%dma_wait3A_305 : memref<125x16xf32, #tpu.memory_space<vmem>>)
      %dma_wait3A_312 = arith.constant 14 : i32
      %dma_wait3A_313 = arith.constant 1750 : i32
      %dma_wait3A_314 = arith.constant 0 : i32
      %dma_wait3A_315 = tpu.memref_slice %arg14[%dma_wait3A_313, %dma_wait3A_314] : memref<2000x16xf32, #tpu.memory_space<vmem>> -> memref<125x16xf32, #tpu.memory_space<vmem>>
      %dma_wait3A_316 = arith.constant 0 : i32
      %dma_wait3A_317 = tpu.memref_slice %arg13[%dma_wait3A_312, %dma_wait3A_316] : memref<16x125xi32, #tpu.memory_space<vmem>> -> memref<1x125xi32, #tpu.memory_space<vmem>>
      %dma_wait3A_318 = tpu.memref_squeeze %dma_wait3A_317 : memref<1x125xi32, #tpu.memory_space<vmem>> -> memref<125xi32, #tpu.memory_space<vmem>>
      %dma_wait3A_319 = arith.constant 0 : i32
      %dma_wait3A_320 = arith.constant 0 : i32
      %dma_wait3A_321 = tpu.memref_slice %arg2[%dma_wait3A_319, %dma_wait3A_320] : memref<10000x16xf32, #tpu.memory_space<hbm>> -> memref<10000x16xf32, #tpu.memory_space<hbm>>
      tpu.wait_indirect_dma semaphore(%arg16 : memref<!tpu.dma_semaphore, #tpu.memory_space<semaphore_mem>>) src(%dma_wait3A_321 : memref<10000x16xf32, #tpu.memory_space<hbm>>) dst(%dma_wait3A_315 : memref<125x16xf32, #tpu.memory_space<vmem>>)
      %dma_wait3A_322 = arith.constant 15 : i32
      %dma_wait3A_323 = arith.constant 1875 : i32
      %dma_wait3A_324 = arith.constant 0 : i32
      %dma_wait3A_325 = tpu.memref_slice %arg14[%dma_wait3A_323, %dma_wait3A_324] : memref<2000x16xf32, #tpu.memory_space<vmem>> -> memref<125x16xf32, #tpu.memory_space<vmem>>
      %dma_wait3A_326 = arith.constant 0 : i32
      %dma_wait3A_327 = tpu.memref_slice %arg13[%dma_wait3A_322, %dma_wait3A_326] : memref<16x125xi32, #tpu.memory_space<vmem>> -> memref<1x125xi32, #tpu.memory_space<vmem>>
      %dma_wait3A_328 = tpu.memref_squeeze %dma_wait3A_327 : memref<1x125xi32, #tpu.memory_space<vmem>> -> memref<125xi32, #tpu.memory_space<vmem>>
      %dma_wait3A_329 = arith.constant 0 : i32
      %dma_wait3A_330 = arith.constant 0 : i32
      %dma_wait3A_331 = tpu.memref_slice %arg2[%dma_wait3A_329, %dma_wait3A_330] : memref<10000x16xf32, #tpu.memory_space<hbm>> -> memref<10000x16xf32, #tpu.memory_space<hbm>>
      tpu.wait_indirect_dma semaphore(%arg16 : memref<!tpu.dma_semaphore, #tpu.memory_space<semaphore_mem>>) src(%dma_wait3A_331 : memref<10000x16xf32, #tpu.memory_space<hbm>>) dst(%dma_wait3A_325 : memref<125x16xf32, #tpu.memory_space<vmem>>)
      %scan3A_332 = arith.constant 0 : i32
      %scan3A_333 = arith.constant 0 : i32
      %scan3A_334 = arith.constant 125 : i32
      %scan3A_335 = arith.addi %scan3A_333, %scan3A_334 : i32
      %scan3A_336 = arith.constant 1 : i32
      scf.for %scan3A_338 = %scan3A_333 to %scan3A_335 step %scan3A_336  : i32 {
        %mul3A_339 = arith.constant 16 : i32
        %mul3A_340 = arith.muli %scan3A_338, %mul3A_339 : i32
        %iota3A = tpu.iota {dimensions = array<i32: 0>} : vector<16xi32>
        %add3A_341 = vector.broadcast %mul3A_340 : i32 to vector<16xi32>
        %add3A_342 = arith.addi %add3A_341, %iota3A : vector<16xi32>
        %get3A = arith.index_cast %mul3A_340 : i32 to index
        %get3A_343 = tpu.vector_load %arg12[%get3A] {strides = array<i32>} : memref<2000xi32, #tpu.memory_space<vmem>>, vector<16xi32>,
        %gather3A = tpu.vector_load_idx %arg9[%get3A_343] : memref<10000xf32, #tpu.memory_space<vmem>>[vector<16xi32>], vector<16xf32>,
        %gather3A_344 = tpu.vector_load_idx %arg10[%get3A_343] : memref<10000xf32, #tpu.memory_space<vmem>>[vector<16xi32>], vector<16xf32>,
        %gather3A_345 = tpu.vector_load_idx %arg11[%get3A_343] : memref<10000xf32, #tpu.memory_space<vmem>>[vector<16xi32>], vector<16xf32>,
        %broadcast_in_dim3A = arith.constant 0 : i32
        %broadcast_in_dim3A_346 = vector.broadcast %broadcast_in_dim3A : i32 to vector<16xi32>
        %gather3A_347 = tpu.vector_load_idx %arg14[%add3A_342, %broadcast_in_dim3A_346] : memref<2000x16xf32, #tpu.memory_space<vmem>>[vector<16xi32>, vector<16xi32>], vector<16xf32>,
        %broadcast_in_dim3A_348 = arith.constant 1 : i32
        %broadcast_in_dim3A_349 = vector.broadcast %broadcast_in_dim3A_348 : i32 to vector<16xi32>
        %gather3A_350 = tpu.vector_load_idx %arg14[%add3A_342, %broadcast_in_dim3A_349] : memref<2000x16xf32, #tpu.memory_space<vmem>>[vector<16xi32>, vector<16xi32>], vector<16xf32>,
        %broadcast_in_dim3A_351 = arith.constant 2 : i32
        %broadcast_in_dim3A_352 = vector.broadcast %broadcast_in_dim3A_351 : i32 to vector<16xi32>
        %gather3A_353 = tpu.vector_load_idx %arg14[%add3A_342, %broadcast_in_dim3A_352] : memref<2000x16xf32, #tpu.memory_space<vmem>>[vector<16xi32>, vector<16xi32>], vector<16xf32>,
        %sub3A = arith.subf %gather3A, %gather3A_347 : vector<16xf32>
        %sub3A_354 = arith.subf %gather3A_344, %gather3A_350 : vector<16xf32>
        %sub3A_355 = arith.subf %gather3A_345, %gather3A_353 : vector<16xf32>
        %mul3A_356 = arith.mulf %sub3A, %sub3A : vector<16xf32>
        %mul3A_357 = arith.mulf %sub3A_354, %sub3A_354 : vector<16xf32>
        %add3A_358 = arith.addf %mul3A_356, %mul3A_357 : vector<16xf32>
        %mul3A_359 = arith.mulf %sub3A_355, %sub3A_355 : vector<16xf32>
        %add3A_360 = arith.addf %add3A_358, %mul3A_359 : vector<16xf32>
        %broadcast_in_dim3A_361 = arith.constant 0 : i32
        %broadcast_in_dim3A_362 = vector.broadcast %broadcast_in_dim3A_361 : i32 to vector<16xi32>
        tpu.vector_store_idx %arg15[%add3A_342, %broadcast_in_dim3A_362], %add3A_360 : memref<2000x8xf32, #tpu.memory_space<vmem>>[vector<16xi32>, vector<16xi32>], vector<16xf32>,
        %broadcast_in_dim3A_363 = arith.constant 3 : i32
        %broadcast_in_dim3A_364 = vector.broadcast %broadcast_in_dim3A_363 : i32 to vector<16xi32>
        %gather3A_365 = tpu.vector_load_idx %arg14[%add3A_342, %broadcast_in_dim3A_364] : memref<2000x16xf32, #tpu.memory_space<vmem>>[vector<16xi32>, vector<16xi32>], vector<16xf32>,
        %broadcast_in_dim3A_366 = arith.constant 4 : i32
        %broadcast_in_dim3A_367 = vector.broadcast %broadcast_in_dim3A_366 : i32 to vector<16xi32>
        %gather3A_368 = tpu.vector_load_idx %arg14[%add3A_342, %broadcast_in_dim3A_367] : memref<2000x16xf32, #tpu.memory_space<vmem>>[vector<16xi32>, vector<16xi32>], vector<16xf32>,
        %broadcast_in_dim3A_369 = arith.constant 5 : i32
        %broadcast_in_dim3A_370 = vector.broadcast %broadcast_in_dim3A_369 : i32 to vector<16xi32>
        %gather3A_371 = tpu.vector_load_idx %arg14[%add3A_342, %broadcast_in_dim3A_370] : memref<2000x16xf32, #tpu.memory_space<vmem>>[vector<16xi32>, vector<16xi32>], vector<16xf32>,
        %sub3A_372 = arith.subf %gather3A, %gather3A_365 : vector<16xf32>
        %sub3A_373 = arith.subf %gather3A_344, %gather3A_368 : vector<16xf32>
        %sub3A_374 = arith.subf %gather3A_345, %gather3A_371 : vector<16xf32>
        %mul3A_375 = arith.mulf %sub3A_372, %sub3A_372 : vector<16xf32>
        %mul3A_376 = arith.mulf %sub3A_373, %sub3A_373 : vector<16xf32>
        %add3A_377 = arith.addf %mul3A_375, %mul3A_376 : vector<16xf32>
        %mul3A_378 = arith.mulf %sub3A_374, %sub3A_374 : vector<16xf32>
        %add3A_379 = arith.addf %add3A_377, %mul3A_378 : vector<16xf32>
        %broadcast_in_dim3A_380 = arith.constant 1 : i32
        %broadcast_in_dim3A_381 = vector.broadcast %broadcast_in_dim3A_380 : i32 to vector<16xi32>
        tpu.vector_store_idx %arg15[%add3A_342, %broadcast_in_dim3A_381], %add3A_379 : memref<2000x8xf32, #tpu.memory_space<vmem>>[vector<16xi32>, vector<16xi32>], vector<16xf32>,
        %broadcast_in_dim3A_382 = arith.constant 6 : i32
        %broadcast_in_dim3A_383 = vector.broadcast %broadcast_in_dim3A_382 : i32 to vector<16xi32>
        %gather3A_384 = tpu.vector_load_idx %arg14[%add3A_342, %broadcast_in_dim3A_383] : memref<2000x16xf32, #tpu.memory_space<vmem>>[vector<16xi32>, vector<16xi32>], vector<16xf32>,
        %broadcast_in_dim3A_385 = arith.constant 7 : i32
        %broadcast_in_dim3A_386 = vector.broadcast %broadcast_in_dim3A_385 : i32 to vector<16xi32>
        %gather3A_387 = tpu.vector_load_idx %arg14[%add3A_342, %broadcast_in_dim3A_386] : memref<2000x16xf32, #tpu.memory_space<vmem>>[vector<16xi32>, vector<16xi32>], vector<16xf32>,
        %broadcast_in_dim3A_388 = arith.constant 8 : i32
        %broadcast_in_dim3A_389 = vector.broadcast %broadcast_in_dim3A_388 : i32 to vector<16xi32>
        %gather3A_390 = tpu.vector_load_idx %arg14[%add3A_342, %broadcast_in_dim3A_389] : memref<2000x16xf32, #tpu.memory_space<vmem>>[vector<16xi32>, vector<16xi32>], vector<16xf32>,
        %sub3A_391 = arith.subf %gather3A, %gather3A_384 : vector<16xf32>
        %sub3A_392 = arith.subf %gather3A_344, %gather3A_387 : vector<16xf32>
        %sub3A_393 = arith.subf %gather3A_345, %gather3A_390 : vector<16xf32>
        %mul3A_394 = arith.mulf %sub3A_391, %sub3A_391 : vector<16xf32>
        %mul3A_395 = arith.mulf %sub3A_392, %sub3A_392 : vector<16xf32>
        %add3A_396 = arith.addf %mul3A_394, %mul3A_395 : vector<16xf32>
        %mul3A_397 = arith.mulf %sub3A_393, %sub3A_393 : vector<16xf32>
        %add3A_398 = arith.addf %add3A_396, %mul3A_397 : vector<16xf32>
        %broadcast_in_dim3A_399 = arith.constant 2 : i32
        %broadcast_in_dim3A_400 = vector.broadcast %broadcast_in_dim3A_399 : i32 to vector<16xi32>
        tpu.vector_store_idx %arg15[%add3A_342, %broadcast_in_dim3A_400], %add3A_398 : memref<2000x8xf32, #tpu.memory_space<vmem>>[vector<16xi32>, vector<16xi32>], vector<16xf32>,
        %broadcast_in_dim3A_401 = arith.constant 9 : i32
        %broadcast_in_dim3A_402 = vector.broadcast %broadcast_in_dim3A_401 : i32 to vector<16xi32>
        %gather3A_403 = tpu.vector_load_idx %arg14[%add3A_342, %broadcast_in_dim3A_402] : memref<2000x16xf32, #tpu.memory_space<vmem>>[vector<16xi32>, vector<16xi32>], vector<16xf32>,
        %broadcast_in_dim3A_404 = arith.constant 10 : i32
        %broadcast_in_dim3A_405 = vector.broadcast %broadcast_in_dim3A_404 : i32 to vector<16xi32>
        %gather3A_406 = tpu.vector_load_idx %arg14[%add3A_342, %broadcast_in_dim3A_405] : memref<2000x16xf32, #tpu.memory_space<vmem>>[vector<16xi32>, vector<16xi32>], vector<16xf32>,
        %broadcast_in_dim3A_407 = arith.constant 11 : i32
        %broadcast_in_dim3A_408 = vector.broadcast %broadcast_in_dim3A_407 : i32 to vector<16xi32>
        %gather3A_409 = tpu.vector_load_idx %arg14[%add3A_342, %broadcast_in_dim3A_408] : memref<2000x16xf32, #tpu.memory_space<vmem>>[vector<16xi32>, vector<16xi32>], vector<16xf32>,
        %sub3A_410 = arith.subf %gather3A, %gather3A_403 : vector<16xf32>
        %sub3A_411 = arith.subf %gather3A_344, %gather3A_406 : vector<16xf32>
        %sub3A_412 = arith.subf %gather3A_345, %gather3A_409 : vector<16xf32>
        %mul3A_413 = arith.mulf %sub3A_410, %sub3A_410 : vector<16xf32>
        %mul3A_414 = arith.mulf %sub3A_411, %sub3A_411 : vector<16xf32>
        %add3A_415 = arith.addf %mul3A_413, %mul3A_414 : vector<16xf32>
        %mul3A_416 = arith.mulf %sub3A_412, %sub3A_412 : vector<16xf32>
        %add3A_417 = arith.addf %add3A_415, %mul3A_416 : vector<16xf32>
        %broadcast_in_dim3A_418 = arith.constant 3 : i32
        %broadcast_in_dim3A_419 = vector.broadcast %broadcast_in_dim3A_418 : i32 to vector<16xi32>
        tpu.vector_store_idx %arg15[%add3A_342, %broadcast_in_dim3A_419], %add3A_417 : memref<2000x8xf32, #tpu.memory_space<vmem>>[vector<16xi32>, vector<16xi32>], vector<16xf32>,
        %broadcast_in_dim3A_420 = arith.constant 12 : i32
        %broadcast_in_dim3A_421 = vector.broadcast %broadcast_in_dim3A_420 : i32 to vector<16xi32>
        %gather3A_422 = tpu.vector_load_idx %arg14[%add3A_342, %broadcast_in_dim3A_421] : memref<2000x16xf32, #tpu.memory_space<vmem>>[vector<16xi32>, vector<16xi32>], vector<16xf32>,
        %broadcast_in_dim3A_423 = arith.constant 13 : i32
        %broadcast_in_dim3A_424 = vector.broadcast %broadcast_in_dim3A_423 : i32 to vector<16xi32>
        %gather3A_425 = tpu.vector_load_idx %arg14[%add3A_342, %broadcast_in_dim3A_424] : memref<2000x16xf32, #tpu.memory_space<vmem>>[vector<16xi32>, vector<16xi32>], vector<16xf32>,
        %broadcast_in_dim3A_426 = arith.constant 14 : i32
        %broadcast_in_dim3A_427 = vector.broadcast %broadcast_in_dim3A_426 : i32 to vector<16xi32>
        %gather3A_428 = tpu.vector_load_idx %arg14[%add3A_342, %broadcast_in_dim3A_427] : memref<2000x16xf32, #tpu.memory_space<vmem>>[vector<16xi32>, vector<16xi32>], vector<16xf32>,
        %sub3A_429 = arith.subf %gather3A, %gather3A_422 : vector<16xf32>
        %sub3A_430 = arith.subf %gather3A_344, %gather3A_425 : vector<16xf32>
        %sub3A_431 = arith.subf %gather3A_345, %gather3A_428 : vector<16xf32>
        %mul3A_432 = arith.mulf %sub3A_429, %sub3A_429 : vector<16xf32>
        %mul3A_433 = arith.mulf %sub3A_430, %sub3A_430 : vector<16xf32>
        %add3A_434 = arith.addf %mul3A_432, %mul3A_433 : vector<16xf32>
        %mul3A_435 = arith.mulf %sub3A_431, %sub3A_431 : vector<16xf32>
        %add3A_436 = arith.addf %add3A_434, %mul3A_435 : vector<16xf32>
        %broadcast_in_dim3A_437 = arith.constant 4 : i32
        %broadcast_in_dim3A_438 = vector.broadcast %broadcast_in_dim3A_437 : i32 to vector<16xi32>
        tpu.vector_store_idx %arg15[%add3A_342, %broadcast_in_dim3A_438], %add3A_436 : memref<2000x8xf32, #tpu.memory_space<vmem>>[vector<16xi32>, vector<16xi32>], vector<16xf32>,
      }
      %scan3A_337 = arith.constant 125 : i32
      "tpu.region"() ({
        %run_scoped3A = tpu.sem_alloc : memref<!tpu.dma_semaphore, #tpu.memory_space<semaphore_mem>>
        %dma_start3A_338 = arith.constant 0 : i32
        %dma_start3A_339 = tpu.memref_slice %arg8[%mul3A_13, %dma_start3A_338] : memref<320000x8xf32, #tpu.memory_space<hbm>> -> memref<2000x8xf32, #tpu.memory_space<hbm>>
        %dma_start3A_340 = arith.constant 0 : i32
        %dma_start3A_341 = tpu.memref_slice %arg8[%mul3A_13, %dma_start3A_340] : memref<320000x8xf32, #tpu.memory_space<hbm>> -> memref<2000x8xf32, #tpu.memory_space<hbm>>
        tpu.enqueue_dma source(%arg15 : memref<2000x8xf32, #tpu.memory_space<vmem>>) target(%dma_start3A_341 : memref<2000x8xf32, #tpu.memory_space<hbm>>) target_semaphore(%run_scoped3A : memref<!tpu.dma_semaphore, #tpu.memory_space<semaphore_mem>>)
        %dma_wait3A_342 = arith.constant 0 : i32
        %dma_wait3A_343 = tpu.memref_slice %arg8[%mul3A_13, %dma_wait3A_342] : memref<320000x8xf32, #tpu.memory_space<hbm>> -> memref<2000x8xf32, #tpu.memory_space<hbm>>
        %dma_wait3A_344 = arith.constant 0 : i32
        %dma_wait3A_345 = tpu.memref_slice %arg8[%mul3A_13, %dma_wait3A_344] : memref<320000x8xf32, #tpu.memory_space<hbm>> -> memref<2000x8xf32, #tpu.memory_space<hbm>>
        tpu.wait_dma2 semaphore(%run_scoped3A : memref<!tpu.dma_semaphore, #tpu.memory_space<semaphore_mem>>) src(%arg15 : memref<2000x8xf32, #tpu.memory_space<vmem>>) dst(%dma_wait3A_345 : memref<2000x8xf32, #tpu.memory_space<hbm>>)
        tpu.yield
      }) : () -> ()
    }
    %scan3A_5 = arith.constant 5 : i32
    return
  }
}

module attributes {stable_mosaic.version = 14 : i64} {
  func.func @_tc_body(%arg0: i32, %arg1: memref<1000x8xf32, #tpu.memory_space<vmem>>, %arg2: memref<8x256xf32, #tpu.memory_space<vmem>>, %arg3: memref<1x256xf32, #tpu.memory_space<vmem>>, %arg4: memref<256x128xf32, #tpu.memory_space<vmem>>, %arg5: memref<1x128xf32, #tpu.memory_space<vmem>>, %arg6: memref<128x128xf32, #tpu.memory_space<vmem>>, %arg7: memref<1x128xf32, #tpu.memory_space<vmem>>, %arg8: memref<1000x128xf32, #tpu.memory_space<vmem>>) attributes {dimension_semantics = [#tpu.dimension_semantics<arbitrary>], iteration_bounds = array<i64: 320>, scalar_prefetch = 0 : i64, scratch_operands = 0 : i64, tpu.core_type = #tpu.core_type<tc>, window_params = [{transform_indices = @transform_0, window_bounds = array<i64: 1000, 8>}, {pipeline_mode = #tpu.pipeline_mode<synchronous>, transform_indices = @transform_1, window_bounds = array<i64: 8, 256>}, {pipeline_mode = #tpu.pipeline_mode<synchronous>, transform_indices = @transform_2, window_bounds = array<i64: 1, 256>}, {pipeline_mode = #tpu.pipeline_mode<synchronous>, transform_indices = @transform_3, window_bounds = array<i64: 256, 128>}, {pipeline_mode = #tpu.pipeline_mode<synchronous>, transform_indices = @transform_4, window_bounds = array<i64: 1, 128>}, {pipeline_mode = #tpu.pipeline_mode<synchronous>, transform_indices = @transform_5, window_bounds = array<i64: 128, 128>}, {pipeline_mode = #tpu.pipeline_mode<synchronous>, transform_indices = @transform_6, window_bounds = array<i64: 1, 128>}, {transform_indices = @transform_7, window_bounds = array<i64: 1000, 128>}]} {
    %get3A = arith.constant 0 : index
    %get3A_0 = arith.constant 0 : index
    %get3A_1 = vector.load %arg1[%get3A, %get3A_0] : memref<1000x8xf32, #tpu.memory_space<vmem>>, vector<1000x8xf32>
    %iota3A = tpu.iota {dimensions = array<i32: 1>} : vector<1000x8xi32>
    %lt3A = arith.constant 5 : i32
    %lt3A_2 = vector.broadcast %lt3A : i32 to vector<1000x8xi32>
    %lt3A_3 = arith.cmpi slt, %iota3A, %lt3A_2 : vector<1000x8xi32>
    %jit3A = arith.constant 0.000000e+00 : f32
    %broadcast_in_dim3A = vector.broadcast %jit3A : f32 to vector<1000x8xf32>
    %select_n3A = arith.select %lt3A_3, %get3A_1, %broadcast_in_dim3A : vector<1000x8xi1>, vector<1000x8xf32>
    %add3A = arith.constant 9.99999996E-13 : f32
    %add3A_4 = vector.broadcast %add3A : f32 to vector<1000x8xf32>
    %add3A_5 = arith.addf %select_n3A, %add3A_4 : vector<1000x8xf32>
    %sqrt3A = math.sqrt %add3A_5 : vector<1000x8xf32>
    %get3A_6 = arith.constant 0 : index
    %get3A_7 = arith.constant 0 : index
    %get3A_8 = vector.load %arg2[%get3A_6, %get3A_7] : memref<8x256xf32, #tpu.memory_space<vmem>>, vector<8x256xf32>
    %dot_general3A = arith.constant dense<0.000000e+00> : vector<1000x256xf32>
    %dot_general3A_9 = tpu.matmul %sqrt3A, %get3A_8, %dot_general3A {dimension_numbers = #tpu.dot_dimension_numbers<[1], [0], [0], [1], [0, 0, 1, 1], [], []>, precision = #tpu.contract_precision<fp32>, transpose_lhs_hint = false} : vector<1000x8xf32>, vector<8x256xf32>, vector<1000x256xf32> -> vector<1000x256xf32>
    %get3A_10 = arith.constant 0 : index
    %get3A_11 = arith.constant 0 : index
    %get3A_12 = vector.load %arg3[%get3A_10, %get3A_11] : memref<1x256xf32, #tpu.memory_space<vmem>>, vector<1x256xf32>
    %sub3A = vector.broadcast %get3A_12 : vector<1x256xf32> to vector<1000x256xf32>
    %sub3A_13 = arith.subf %dot_general3A_9, %sub3A : vector<1000x256xf32>
    %mul3A = arith.mulf %sub3A_13, %sub3A_13 : vector<1000x256xf32>
    %mul3A_14 = arith.constant -0.533888876 : f32
    %mul3A_15 = vector.broadcast %mul3A_14 : f32 to vector<1000x256xf32>
    %mul3A_16 = arith.mulf %mul3A_15, %mul3A : vector<1000x256xf32>
    %exp3A = math.exp %mul3A_16 : vector<1000x256xf32>
    %get3A_17 = arith.constant 0 : index
    %get3A_18 = arith.constant 0 : index
    %get3A_19 = vector.load %arg4[%get3A_17, %get3A_18] : memref<256x128xf32, #tpu.memory_space<vmem>>, vector<256x128xf32>
    %dot_general3A_20 = arith.constant dense<0.000000e+00> : vector<1000x128xf32>
    %dot_general3A_21 = tpu.matmul %exp3A, %get3A_19, %dot_general3A_20 {dimension_numbers = #tpu.dot_dimension_numbers<[1], [0], [0], [1], [0, 0, 1, 1], [], []>, transpose_lhs_hint = false} : vector<1000x256xf32>, vector<256x128xf32>, vector<1000x128xf32> -> vector<1000x128xf32>
    %get3A_22 = arith.constant 0 : index
    %get3A_23 = arith.constant 0 : index
    %get3A_24 = vector.load %arg5[%get3A_22, %get3A_23] : memref<1x128xf32, #tpu.memory_space<vmem>>, vector<1x128xf32>
    %add3A_25 = vector.broadcast %get3A_24 : vector<1x128xf32> to vector<1000x128xf32>
    %add3A_26 = arith.addf %dot_general3A_21, %add3A_25 : vector<1000x128xf32>
    %max3A = arith.constant 0.000000e+00 : f32
    %max3A_27 = vector.broadcast %max3A : f32 to vector<1000x128xf32>
    %max3A_28 = arith.maximumf %add3A_26, %max3A_27 : vector<1000x128xf32>
    %get3A_29 = arith.constant 0 : index
    %get3A_30 = arith.constant 0 : index
    %get3A_31 = vector.load %arg6[%get3A_29, %get3A_30] : memref<128x128xf32, #tpu.memory_space<vmem>>, vector<128x128xf32>
    %dot_general3A_32 = arith.constant dense<0.000000e+00> : vector<1000x128xf32>
    %dot_general3A_33 = tpu.matmul %max3A_28, %get3A_31, %dot_general3A_32 {dimension_numbers = #tpu.dot_dimension_numbers<[1], [0], [0], [1], [0, 0, 1, 1], [], []>, transpose_lhs_hint = false} : vector<1000x128xf32>, vector<128x128xf32>, vector<1000x128xf32> -> vector<1000x128xf32>
    %get3A_34 = arith.constant 0 : index
    %get3A_35 = arith.constant 0 : index
    %get3A_36 = vector.load %arg7[%get3A_34, %get3A_35] : memref<1x128xf32, #tpu.memory_space<vmem>>, vector<1x128xf32>
    %add3A_37 = vector.broadcast %get3A_36 : vector<1x128xf32> to vector<1000x128xf32>
    %add3A_38 = arith.addf %dot_general3A_33, %add3A_37 : vector<1000x128xf32>
    %swap3A = arith.constant 0 : index
    %swap3A_39 = arith.constant 0 : index
    %swap3A_40 = vector.load %arg8[%swap3A, %swap3A_39] : memref<1000x128xf32, #tpu.memory_space<vmem>>, vector<1000x128xf32>
    tpu.vector_store %arg8[%swap3A, %swap3A_39], %add3A_38 {strides = array<i32>} : memref<1000x128xf32, #tpu.memory_space<vmem>>, vector<1000x128xf32>,
    return
  }
  func.func @transform_0(%arg0: i32) -> (i32, i32) {
    %c0_i32 = arith.constant 0 : i32
    %c0_i32_0 = arith.constant 0 : i32
    return %arg0, %c0_i32 : i32, i32
  }
  func.func @transform_1(%arg0: i32) -> (i32, i32) {
    %c0_i32 = arith.constant 0 : i32
    %c0_i32_0 = arith.constant 0 : i32
    %c0_i32_1 = arith.constant 0 : i32
    return %c0_i32, %c0_i32_0 : i32, i32
  }
  func.func @transform_2(%arg0: i32) -> (i32, i32) {
    %c0_i32 = arith.constant 0 : i32
    %c0_i32_0 = arith.constant 0 : i32
    %c0_i32_1 = arith.constant 0 : i32
    return %c0_i32, %c0_i32_0 : i32, i32
  }
  func.func @transform_3(%arg0: i32) -> (i32, i32) {
    %c0_i32 = arith.constant 0 : i32
    %c0_i32_0 = arith.constant 0 : i32
    %c0_i32_1 = arith.constant 0 : i32
    return %c0_i32, %c0_i32_0 : i32, i32
  }
  func.func @transform_4(%arg0: i32) -> (i32, i32) {
    %c0_i32 = arith.constant 0 : i32
    %c0_i32_0 = arith.constant 0 : i32
    %c0_i32_1 = arith.constant 0 : i32
    return %c0_i32, %c0_i32_0 : i32, i32
  }
  func.func @transform_5(%arg0: i32) -> (i32, i32) {
    %c0_i32 = arith.constant 0 : i32
    %c0_i32_0 = arith.constant 0 : i32
    %c0_i32_1 = arith.constant 0 : i32
    return %c0_i32, %c0_i32_0 : i32, i32
  }
  func.func @transform_6(%arg0: i32) -> (i32, i32) {
    %c0_i32 = arith.constant 0 : i32
    %c0_i32_0 = arith.constant 0 : i32
    %c0_i32_1 = arith.constant 0 : i32
    return %c0_i32, %c0_i32_0 : i32, i32
  }
  func.func @transform_7(%arg0: i32) -> (i32, i32) {
    %c0_i32 = arith.constant 0 : i32
    %c0_i32_0 = arith.constant 0 : i32
    return %arg0, %c0_i32 : i32, i32
  }
}

</mosaic_0001>

<sc_bundles>
// kernel: kernel.4.cloned.1.call-start
scs
__scs_entry_jumppad:
0x0: {  	(pc) =	sbr.rel $0x88, $3  }
0x1: {  	(tag) =	ssettag $0x0;
	lr =	simm.s32 $0x1  }
0x2: {  	[smem:$0x3F96] =	sst lr;
	_ =	strace $0xD0000000  }
0x3: {  	_ = 	snop  }
0x4: {  	_ = 	snop  }
0x5: {  	_ = 	snop  }
0x6: {  	_ = 	snop  }
0x7: {  	_ = 	snop  }
__scs_overlays_trampoline_lowered:
0x8: {  	[smem:$0x3FA5] =	sst s0  }
0x9: {  	[smem:$0x3FA6] =	sst s1  }
0xa: {  	[smem:$0x3FA7] =	sst s2  }
0xb: {  	[smem:$0x3FA8] =	sst s3  }
0xc: {  	[smem:$0x3FA9] =	sst s4  }
0xd: {  	[smem:$0x3FAA] =	sst s5  }
0xe: {  	[smem:$0x3FAB] =	sst s6  }
0xf: {  	[smem:$0x3FAC] =	sst s7  }
0x10: {  	[smem:$0x3FAD] =	sst s8  }
0x11: {  	[smem:$0x3FAE] =	sst s9;
	s0 =	simm.s32 @!p0 $0x0  }
0x12: {  	s1 =	sld [smem:$0x3F94];
	s0 =	simm.s32 @p0 $0x1  }
0x13: {  	[smem:$0x3FAF] =	sst s0;
	s0 =	simm.s32 @!p1 $0x0  }
0x14: {  	s2 =	sld [smem:$0x3F93];
	s0 =	simm.s32 @p1 $0x1  }
0x15: {  	[smem:$0x3FB0] =	sst s0;
	s0 =	simm.s32 @!p2 $0x0  }
0x16: {  	s3 =	sld [smem:$0x3FDB];
	s0 =	simm.s32 @p2 $0x1  }
0x17: {  	s4 =	simm.s32 $0x1BF5;
	[smem:$0x3FB2] =	sst s0  }
0x18: {  	s0 =	sld [smem:$0x3F95];
	_ =	swait.ge [sflag:s4], $0x0  }
0x19: {  	s7 =	sld [smem:$0x3F96]  }
0x1a: {  	s8 =	sadd.s32 $0xFFFFE003, lr  }
0x1b: {  	s9 =	sadd.s32 $0xFFFFFEF7, lr;
	s5 =	simm.s32 $0xFFFFFFFF;
	p2 =	slt.u32 s8, $0xFFFFF086  }
0x1c: {  	p1 =	slt.u32 s9, $0xF7A;
	s5 =	simm.s32 @!p2 $0x0  }
0x1d: {  	s5 =	simm.s32 @p1 $0x1;
	p0 =	seq.s32 s7, s2  }
0x1e: {  	s7 =	smul.u32 @!p0 $0xF7A, s2;
	p2 =	seq.s32 @!p0 s5, $0x0  }
0x1f: {  	s9 =	smul.u32 $0xF7A, s1;
	s8 =	simm.s32 @!p0 $0x1BF5;
	p2 =	por !p2, p0  }
0x20: {  	[sflag:s8] =	ssyncset.s32 @!p0 $0xFFFFF086;
	s6 =	sadd.s32 @!p0 s3, s7;
	s7 =	simm.s32 @!p0 $0x108  }
0x21: {  	s3 =	sadd.s32 s3, s9;
	s6 =	sadd.s32 @!p0 $0x88, s6;
	s7 =	simm.s32 @p2 $0x1082  }
0x22: {  	[simem:s7], [sflag:s8] =	dma.local @!p0 [hbm:s6], $0xF7A  }
0x23: {  	s9 =	sor.u32 $0xD0000000, s2;
	s6 =	simm.s32 $0x108;
	_ =	swait.ge @!p0 [sflag:s8], $0x0  }
0x24: {  	s3 =	sadd.s32 $0x88, s3;
	s6 =	simm.s32 @!p1 $0x1082;
	[sflag:s4] =	ssyncset.s32 $0xFFFFF086  }
0x25: {  	[simem:s6], [sflag:s4] =	dma.local [hbm:s3], $0xF7A  }
0x26: {  	[smem:$0x3F96] =	sst s1;
	(tag) =	ssettag s2;
	_ =	strace s9  }
0x27: {  	s1 =	sld [smem:$0x3FA6]  }
0x28: {  	s2 =	sld [smem:$0x3FA7]  }
0x29: {  	s4 =	sld [smem:$0x3FA9]  }
0x2a: {  	p0 =	seq.s32 s5, $0x0;
	s5 =	sld [smem:$0x3FAA]  }
0x2b: {  	s6 =	sld [smem:$0x3FAB]  }
0x2c: {  	s7 =	sld [smem:$0x3FAC]  }
0x2d: {  	s3 =	simm.s32 $0x108;
	s8 =	sld [smem:$0x3FAD]  }
0x2e: {  	s3 =	simm.s32 @!p0 $0x1082;
	s9 =	sld [smem:$0x3FAE]  }
0x2f: {  	lr =	sadd.s32 s0, s3;
	s0 =	sld [smem:$0x3FA5]  }
0x30: {  	s3 =	sld [smem:$0x3FA8]  }
0x31: {  	[smem:$0x3FB1] =	sst s10  }
0x32: {  	s10 =	sld [smem:$0x3FAF];
	_ =	sdelay $0x3  }
0x33: {  	p0 =	seq.s32 s10, $0x1;
	s10 =	sld [smem:$0x3FB1];
	_ =	sdelay $0x3  }
0x34: {  	[smem:$0x3FB1] =	sst s10  }
0x35: {  	s10 =	sld [smem:$0x3FB0];
	_ =	sdelay $0x3  }
0x36: {  	p1 =	seq.s32 s10, $0x1;
	s10 =	sld [smem:$0x3FB1];
	_ =	sdelay $0x3  }
0x37: {  	[smem:$0x3FB1] =	sst s10  }
0x38: {  	s10 =	sld [smem:$0x3FB2]  }
0x39: {  	_ = 	snop;
	(pc) =	sbr.ind lr, $3  }
0x3a: {  	_ = 	snop  }
0x3b: {  	_ = 	snop  }
0x3c: {  	p2 =	seq.s32 s10, $0x1;
	s10 =	sld [smem:$0x3FB1]  }
0x3d: {  	_ =	shalt  }
0x3e: {  	_ =	shalt  }
0x3f: {  	_ =	shalt  }
0x40: {  	_ =	shalt  }
0x41: {  	_ =	shalt  }
0x42: {  	_ =	shalt  }
0x43: {  	_ =	shalt  }
0x44: {  	_ =	shalt  }
0x45: {  	_ =	shalt  }
0x46: {  	_ =	shalt  }
0x47: {  	_ =	shalt  }
0x48: {  	_ =	shalt  }
0x49: {  	_ =	shalt  }
0x4a: {  	_ =	shalt  }
0x4b: {  	_ =	shalt  }
0x4c: {  	_ =	shalt  }
0x4d: {  	_ =	shalt  }
0x4e: {  	_ =	shalt  }
0x4f: {  	_ =	shalt  }
0x50: {  	_ =	shalt  }
0x51: {  	_ =	shalt  }
0x52: {  	_ =	shalt  }
0x53: {  	_ =	shalt  }
0x54: {  	_ =	shalt  }
0x55: {  	_ =	shalt  }
0x56: {  	_ =	shalt  }
0x57: {  	_ =	shalt  }
0x58: {  	_ =	shalt  }
0x59: {  	_ =	shalt  }
0x5a: {  	_ =	shalt  }
0x5b: {  	_ =	shalt  }
0x5c: {  	_ =	shalt  }
0x5d: {  	_ =	shalt  }
0x5e: {  	_ =	shalt  }
0x5f: {  	_ =	shalt  }
0x60: {  	_ =	shalt  }
0x61: {  	_ =	shalt  }
0x62: {  	_ =	shalt  }
0x63: {  	_ =	shalt  }
0x64: {  	_ =	shalt  }
0x65: {  	_ =	shalt  }
0x66: {  	_ =	shalt  }
0x67: {  	_ =	shalt  }
0x68: {  	_ =	shalt  }
0x69: {  	_ =	shalt  }
0x6a: {  	_ =	shalt  }
0x6b: {  	_ =	shalt  }
0x6c: {  	_ =	shalt  }
0x6d: {  	_ =	shalt  }
0x6e: {  	_ =	shalt  }
0x6f: {  	_ =	shalt  }
0x70: {  	_ =	shalt  }
0x71: {  	_ =	shalt  }
0x72: {  	_ =	shalt  }
0x73: {  	_ =	shalt  }
0x74: {  	_ =	shalt  }
0x75: {  	_ =	shalt  }
0x76: {  	_ =	shalt  }
0x77: {  	_ =	shalt  }
0x78: {  	_ =	shalt  }
0x79: {  	_ =	shalt  }
0x7a: {  	_ =	shalt  }
0x7b: {  	_ =	shalt  }
0x7c: {  	_ =	shalt  }
0x7d: {  	_ =	shalt  }
0x7e: {  	_ =	shalt  }
0x7f: {  	_ =	shalt  }
0x80: {  	_ =	shalt  }
0x81: {  	_ =	shalt  }
0x82: {  	_ =	shalt  }
0x83: {  	_ =	shalt  }
0x84: {  	_ =	shalt  }
0x85: {  	_ =	shalt  }
0x86: {  	_ =	shalt  }
0x87: {  	_ =	shalt  }
.Lfunc_end0:
.L_simem_size_0:
called_computation_lowered:
.L_overlay_start_0:
0x88: {  	s2 =	sld [smem:$0x3FD9]  }
0x89: {  	s3 =	sld [smem:$0x3FFE];
	_ =	sdelay $0x1  }
0x8a: {  	s1 =	srdreg.scid  }
0x8b: {  	s0 =	sand.u32 $0x1, s1  }
0x8c: {  	s17 =	sshll.u32 s0, $0xA;
	s2 =	sadd.s32 s3, s2  }
0x8d: {  	s2 =	sadd.s32 s2, s17  }
0x8e: {  	[smem:$0x3FBD] =	sst s2  }
0x8f: {  	_ = 	snop  }
0x90: {  	s2 =	sld [smem:$0x3FD0];
	(tm) =	ssettm $0x1  }
0x91: {  	s18 =	sld [smem:$0x3FFB];
	_ =	sdelay $0x3  }
0x92: {  	_ =	strace s18  }
0x93: {  	s3 =	sld [smem:$0x3FFC];
	_ =	sdelay $0x3  }
0x94: {  	_ =	strace s3  }
0x95: {  	s3 =	sld [smem:$0x3FFD];
	_ =	sdelay $0x3  }
0x96: {  	_ =	strace s3  }
0x97: {  	_ =	strace $0x8FFFFFFF  }
0x98: {  	s19 =	sld [smem:$0x3FDB];
	_ =	sdelay $0x1  }
0x99: {  	s4 =	simm.s32 $_scs_section_size  }
0x9a: {  	s5 =	simm.s32 $_size__tile_overlayer_lowered;
	s6 =	simm.s32 $_tile_overlayer_lowered  }
0x9b: {  	s22 =	simm.s32 $0x1BFF;
	s21 =	sshll.u32 s6, $0x1;
	s3 =	sadd.s32 s4, s19  }
0x9c: {  	s7 =	simm.s32 $0x0;
	s20 =	sshll.u32 s5, $0x1;
	s5 =	sadd.s32 s21, s3  }
0x9d: {  	[timem:s7], [sflag:s22] =	dma.local [hbm:s5], s20  }
0x9e: {  	_ =	swait.ge [sflag:s22], s20  }
0x9f: {  	s4 =	ssub.s32 $0x0, s20;
	[sflag:s22] =	ssyncset.done $0x0  }
0xa0: {  	[sflag:s22] =	ssyncadd.s32 s4;
	_ =	sdelay $0x1  }
0xa1: {  	s23 =	simm.s32 $0x1B8B  }
0xa2: {  	_ =	swait.ge [sflag:s23], $0x1  }
0xa3: {  	[sflag:s23] =	ssyncset.done $0x0  }
0xa4: {  	s25 =	simm.s32 $0x1B8E;
	s24 =	sld [smem:$0x3FFE];
	[sflag:s23] =	ssyncadd.s32 $0xFFFFFFFF  }
0xa5: {  	s26 =	simm.s32 $execute0_lowered;
	[smem:$0x3FD2] =	sst s25  }
0xa6: {  	s5 =	sshll.u32 s26, $0x1;
	_ =	strace $0x80000046;
	[dreg:$0x1] =	wrdreg $0xFFFFFFFF  }
0xa7: {  	s28 =	simm.s32 $_size_execute0_lowered;
	s3 =	sadd.s32 s3, s5;
	[dreg:$0x0] =	wrdreg $0x0  }
0xa8: {  	s5 =	sshll.u32 s28, $0x1;
	[dreg:$0x2] =	wrdreg s3  }
0xa9: {  	[dreg:$0x3] =	wrdreg s5  }
0xaa: {  	[dreg:$0x4] =	wrdreg $0xC0  }
0xab: {  	_ =	task [dreg:s7], $0x5FFFF  }
0xac: {  	[dreg:$0x1] =	wrdreg $0xFFFFFFFF  }
0xad: {  	[dreg:$0x0] =	wrdreg $0x60  }
0xae: {  	[dreg:$0x2] =	wrdreg s24  }
0xaf: {  	[dreg:$0x3] =	wrdreg s2  }
0xb0: {  	[dreg:$0x4] =	wrdreg $0x9  }
0xb1: {  	_ =	task.clear_ibuf [dreg:s7], $0x5FFFF;
	_ =	strace $0x90000046  }
0xb2: {  	s29 =	simm.s32 $0x9;
	_ =	strace $0x80000048  }
0xb3: {  	_ =	swait.ge [sflag:s29], $0x1  }
0xb4: {  	[sflag:s29] =	ssyncadd.s32 $0xFFFFFFFF  }
0xb5: {  	_ =	strace $0x90000048  }
0xb6: {  	_ =	sfence  }
0xb7: {  	s30 =	sld [smem:$0x0];
	_ =	sdelay $0x2  }
0xb8: {  	s31 =	sshll.u32 s1, $0xD;
	s1 =	sshrl.u32 s1, $0x2  }
0xb9: {  	s3 =	sand.u32 $0x4000, s31;
	s1 =	sadd.s32 s1, s30  }
0xba: {  	s0 =	sor.u32 s3, s0;
	s1 =	sshll.u32 s1, $0x11  }
0xbb: {  	s0 =	sor.u32 s1, s0  }
0xbc: {  	s0 =	sadd.s32 $0x8F2B, s0  }
0xbd: {  	[sflag:s0] =	ssyncadd.remote.s32 $0x1  }
0xbe: {  	_ =	sfence.sel $0xFFFF  }
0xbf: {  	[dreg:$0x0] =	wrdreg $0xFFFFFFFF;
	(pc) =	sbr.abs _section_cstart, $3  }
0xc0: {  	[dreg:$0x1] =	wrdreg $0xFFFFFFFF  }
0xc1: {  	_ =	task.clear_ibuf [dreg:s7], $0x2FFFF;
	_ =	strace $0x9FFFFFFF  }
0xc2: {  	(tm) =	ssettm $0x7FFFFFFF  }
0xc3: {  	_ =	shalt  }
tec
execute0_lowered:
.L_overlay_start_1:
0x0: {  	(tag) =	ssettag $0x1  }
0x1: {  	s6 =	rddreg [dreg:$0x0]  }
0x2: {  	s3 =	simm.s32 $0x0;
	s0 =	srdreg.scid;
	s4 =	stileid.u32  }
0x3: {  	s12 =	simm.s32 $0x2;
	s13 =	simm.s32 $0x2710;
	s14 =	simm.s32 $0x4E20  }
0x4: {  	s15 =	simm.s32 $0x7D00;
	s16 =	simm.s32 $0x7D;
	s17 =	simm.s32 $0x8500  }
0x5: {  	s11 =	simm.s32 $0x8200;
	s18 =	simm.s32 $0x8280;
	s19 =	simm.s32 $0xDAF0  }
0x6: {  	s20 =	simm.s32 $0x8300;
	s21 =	simm.s32 $0xE2C0;
	s22 =	simm.s32 $0x8380  }
0x7: {  	s23 =	simm.s32 $0xEA90;
	s24 =	simm.s32 $0x8400;
	s28 =	simm.s32 $0xFA30  }
0x8: {  	s29 =	simm.s32 $0x1;
	s30 =	simm.s32 $0x10200;
	[smem:$0x7FF] =	sst s3  }
0x9: {  	s5 =	sadd.s32 $0xB000, s6;
	s0 =	sand.u32 $0x1, s0;
	s1 =	sadd.s32 $0xC00, s6  }
0xa: {  	s2 =	sadd.s32 $0x600, s6;
	s4 =	sshll.u32 s4, $0x1;
	s8 =	sadd.s32 $0x1200, s6  }
0xb: {  	_ =	strace $0x80000047;
	[dreg:$0x3] =	wrdreg s1;
	s25 =	ssub.s32 $0x2, s0  }
0xc: {  	s9 =	sadd.s32 $0x10000, s6;
	[dreg:$0x4] =	wrdreg s2;
	s26 =	sshrl.u32 s25, $0x1  }
0xd: {  	s0 =	sor.u32 s0, s4;
	s2 =	simm.s32 $0xD320;
	s1 =	ssub.s32 s25, s26  }
0xe: {  	s10 =	smul.u32 $0x50, s0;
	s25 =	simm.s32 $0xF260;
	s31 =	smax.u32 s1, $0x1  }
0xf: {  	v0 =	vlaneseq.u32;
	s26 =	simm.s32 $0x8480;
	s1 =	simm.s32 $0x0;
	[dreg:$0x5] =	wrdreg s31  }
.LBB2_1:
0x10: {  	[dreg:$0x6] =	wrdreg s1  }
0x11: {  	s0 =	rddreg [dreg:$0x3]  }
0x12: {  	[tilespmem:s3], [sflag:$0x2] =	stream.linear.gather [hbm4b:s0+s3], $0x2710, $0x38;
	[tilespmem:$0x14080] =	vst v63  }
0x13: {  	_ =	swait.ge [sflag:s12], $0x2710  }
0x14: {  	[sflag:s12] =	ssyncset.done $0x0  }
0x15: {  	s6 =	rddreg [dreg:$0x4];
	[sflag:s12] =	ssyncadd.s32 $0xFFFFD8F0  }
0x16: {  	[tilespmem:s13], [sflag:$0x2] =	stream.linear.gather [hbm4b:s6+s3], $0x2710, $0x38;
	[tilespmem:$0x14080] =	vst v63  }
0x17: {  	_ =	swait.ge [sflag:s12], $0x2710  }
0x18: {  	[sflag:s12] =	ssyncset.done $0x0  }
0x19: {  	[sflag:s12] =	ssyncadd.s32 $0xFFFFD8F0  }
0x1a: {  	s7 =	rddreg [dreg:$0x0]  }
0x1b: {  	[tilespmem:s14], [sflag:$0x2] =	stream.linear.gather [hbm4b:s7+s3], $0x2710, $0x38;
	[tilespmem:$0x14080] =	vst v63  }
0x1c: {  	_ =	swait.ge [sflag:s12], $0x2710  }
0x1d: {  	[sflag:s12] =	ssyncset.done $0x0  }
0x1e: {  	s31 =	simm.s32 $0x0;
	[sflag:s12] =	ssyncadd.s32 $0xFFFFD8F0  }
.LBB2_2:
0x1f: {  	s0 =	sshll.u32 s31, $0x4  }
0x20: {  	s6 =	sadd.s32 s10, s0  }
0x21: {  	s0 =	smul.u32 $0x7D, s6;
	_ =	sdelay $0x1  }
0x22: {  	s1 =	sshrl.u32 s0, $0x3  }
0x23: {  	s4 =	simm.s32 $0x7530;
	s7 =	sadd.s32 s8, s1;
	s1 =	simm.s32 $0x0  }
0x24: {  	[tilespmem:s4], [sflag:$0x2] =	stream.linear.gather [hbm4b:s7+s1], $0x7D0, $0x38;
	[tilespmem:$0x14080] =	vst v63  }
0x25: {  	_ =	swait.ge [sflag:s12], $0x7D0  }
0x26: {  	s6 =	sshll.u32 s6, $0x4;
	[sflag:s12] =	ssyncset.done $0x0  }
0x27: {  	s6 =	sadd.s32 s9, s6;
	[sflag:s12] =	ssyncadd.s32 $0xFFFFF830  }
0x28: {  	[tilespmem:s15], [sflag:$0x2] =	stream.linear.gather [hbm4b:s6+s1], $0x800, $0x38;
	[tilespmem:$0x14080] =	vst v63  }
0x29: {  	_ =	swait.ge [sflag:s12], $0x800  }
0x2a: {  	[sflag:s12] =	ssyncset.done $0x0  }
0x2b: {  	[sflag:s12] =	ssyncadd.s32 $0xFFFFF800  }
0x2c: {  	[tilespmem:s17], [sflag:$0x1] =	stream.indirect.gather [hbm4b:s5+s16], $0x10, s15, s16, $0xb8;
	[tilespmem:$0x14080] =	vst v63  }
0x2d: {  	s7 =	simm.s32 $0x8CD0;
	s6 =	simm.s32 $0x7D80  }
0x2e: {  	[tilespmem:s7], [sflag:$0x1] =	stream.indirect.gather [hbm4b:s5+s16], $0x10, s6, s16, $0xb8;
	[tilespmem:$0x14080] =	vst v63  }
0x2f: {  	s6 =	simm.s32 $0x7E00;
	s7 =	simm.s32 $0x94A0  }
0x30: {  	[tilespmem:s7], [sflag:$0x1] =	stream.indirect.gather [hbm4b:s5+s16], $0x10, s6, s16, $0xb8;
	[tilespmem:$0x14080] =	vst v63  }
0x31: {  	s6 =	simm.s32 $0x7E80;
	s7 =	simm.s32 $0x9C70  }
0x32: {  	[tilespmem:s7], [sflag:$0x1] =	stream.indirect.gather [hbm4b:s5+s16], $0x10, s6, s16, $0xb8;
	[tilespmem:$0x14080] =	vst v63  }
0x33: {  	s6 =	simm.s32 $0x7F00;
	s7 =	simm.s32 $0xA440  }
0x34: {  	[tilespmem:s7], [sflag:$0x1] =	stream.indirect.gather [hbm4b:s5+s16], $0x10, s6, s16, $0xb8;
	[tilespmem:$0x14080] =	vst v63  }
0x35: {  	s6 =	simm.s32 $0x7F80;
	s7 =	simm.s32 $0xAC10  }
0x36: {  	[tilespmem:s7], [sflag:$0x1] =	stream.indirect.gather [hbm4b:s5+s16], $0x10, s6, s16, $0xb8;
	[tilespmem:$0x14080] =	vst v63  }
0x37: {  	s6 =	simm.s32 $0x8000;
	s7 =	simm.s32 $0xB3E0  }
0x38: {  	[tilespmem:s7], [sflag:$0x1] =	stream.indirect.gather [hbm4b:s5+s16], $0x10, s6, s16, $0xb8;
	[tilespmem:$0x14080] =	vst v63  }
0x39: {  	s6 =	simm.s32 $0x8080;
	s7 =	simm.s32 $0xBBB0  }
0x3a: {  	[tilespmem:s7], [sflag:$0x1] =	stream.indirect.gather [hbm4b:s5+s16], $0x10, s6, s16, $0xb8;
	[tilespmem:$0x14080] =	vst v63  }
0x3b: {  	s6 =	simm.s32 $0x8100;
	s7 =	simm.s32 $0xC380  }
0x3c: {  	[tilespmem:s7], [sflag:$0x1] =	stream.indirect.gather [hbm4b:s5+s16], $0x10, s6, s16, $0xb8;
	[tilespmem:$0x14080] =	vst v63  }
0x3d: {  	s6 =	simm.s32 $0x8180;
	s7 =	simm.s32 $0xCB50  }
0x3e: {  	[tilespmem:s7], [sflag:$0x1] =	stream.indirect.gather [hbm4b:s5+s16], $0x10, s6, s16, $0xb8;
	[tilespmem:$0x14080] =	vst v63  }
0x3f: {  	_ = 	snop  }
0x40: {  	[tilespmem:s2], [sflag:$0x1] =	stream.indirect.gather [hbm4b:s5+s16], $0x10, s11, s16, $0xb8;
	[tilespmem:$0x14080] =	vst v63  }
0x41: {  	_ = 	snop  }
0x42: {  	[tilespmem:s19], [sflag:$0x1] =	stream.indirect.gather [hbm4b:s5+s16], $0x10, s18, s16, $0xb8;
	[tilespmem:$0x14080] =	vst v63  }
0x43: {  	_ = 	snop  }
0x44: {  	[tilespmem:s21], [sflag:$0x1] =	stream.indirect.gather [hbm4b:s5+s16], $0x10, s20, s16, $0xb8;
	[tilespmem:$0x14080] =	vst v63  }
0x45: {  	_ = 	snop  }
0x46: {  	[tilespmem:s23], [sflag:$0x1] =	stream.indirect.gather [hbm4b:s5+s16], $0x10, s22, s16, $0xb8;
	[tilespmem:$0x14080] =	vst v63  }
0x47: {  	_ = 	snop  }
0x48: {  	[tilespmem:s25], [sflag:$0x1] =	stream.indirect.gather [hbm4b:s5+s16], $0x10, s24, s16, $0xb8;
	[tilespmem:$0x14080] =	vst v63  }
0x49: {  	_ = 	snop  }
0x4a: {  	[tilespmem:s28], [sflag:$0x1] =	stream.indirect.gather [hbm4b:s5+s16], $0x10, s26, s16, $0xb8;
	[tilespmem:$0x14080] =	vst v63  }
0x4b: {  	_ =	swait.ge [sflag:s29], $0x7D0  }
0x4c: {  	[sflag:s29] =	ssyncset.done $0x0  }
0x4d: {  	[sflag:s29] =	ssyncadd.s32 $0xFFFFF830  }
0x4e: {  	_ =	swait.ge [sflag:s29], $0x7D0  }
0x4f: {  	[sflag:s29] =	ssyncset.done $0x0  }
0x50: {  	[sflag:s29] =	ssyncadd.s32 $0xFFFFF830  }
0x51: {  	_ =	swait.ge [sflag:s29], $0x7D0  }
0x52: {  	[sflag:s29] =	ssyncset.done $0x0  }
0x53: {  	[sflag:s29] =	ssyncadd.s32 $0xFFFFF830  }
0x54: {  	_ =	swait.ge [sflag:s29], $0x7D0  }
0x55: {  	[sflag:s29] =	ssyncset.done $0x0  }
0x56: {  	[sflag:s29] =	ssyncadd.s32 $0xFFFFF830  }
0x57: {  	_ =	swait.ge [sflag:s29], $0x7D0  }
0x58: {  	[sflag:s29] =	ssyncset.done $0x0  }
0x59: {  	[sflag:s29] =	ssyncadd.s32 $0xFFFFF830  }
0x5a: {  	_ =	swait.ge [sflag:s29], $0x7D0  }
0x5b: {  	[sflag:s29] =	ssyncset.done $0x0  }
0x5c: {  	[sflag:s29] =	ssyncadd.s32 $0xFFFFF830  }
0x5d: {  	_ =	swait.ge [sflag:s29], $0x7D0  }
0x5e: {  	[sflag:s29] =	ssyncset.done $0x0  }
0x5f: {  	[sflag:s29] =	ssyncadd.s32 $0xFFFFF830  }
0x60: {  	_ =	swait.ge [sflag:s29], $0x7D0  }
0x61: {  	[sflag:s29] =	ssyncset.done $0x0  }
0x62: {  	[sflag:s29] =	ssyncadd.s32 $0xFFFFF830  }
0x63: {  	_ =	swait.ge [sflag:s29], $0x7D0  }
0x64: {  	[sflag:s29] =	ssyncset.done $0x0  }
0x65: {  	[sflag:s29] =	ssyncadd.s32 $0xFFFFF830  }
0x66: {  	_ =	swait.ge [sflag:s29], $0x7D0  }
0x67: {  	[sflag:s29] =	ssyncset.done $0x0  }
0x68: {  	[sflag:s29] =	ssyncadd.s32 $0xFFFFF830  }
0x69: {  	_ =	swait.ge [sflag:s29], $0x7D0  }
0x6a: {  	[sflag:s29] =	ssyncset.done $0x0  }
0x6b: {  	[sflag:s29] =	ssyncadd.s32 $0xFFFFF830  }
0x6c: {  	_ =	swait.ge [sflag:s29], $0x7D0  }
0x6d: {  	[sflag:s29] =	ssyncset.done $0x0  }
0x6e: {  	[sflag:s29] =	ssyncadd.s32 $0xFFFFF830  }
0x6f: {  	_ =	swait.ge [sflag:s29], $0x7D0  }
0x70: {  	[sflag:s29] =	ssyncset.done $0x0  }
0x71: {  	[sflag:s29] =	ssyncadd.s32 $0xFFFFF830  }
0x72: {  	_ =	swait.ge [sflag:s29], $0x7D0  }
0x73: {  	[sflag:s29] =	ssyncset.done $0x0  }
0x74: {  	[sflag:s29] =	ssyncadd.s32 $0xFFFFF830  }
0x75: {  	_ =	swait.ge [sflag:s29], $0x7D0  }
0x76: {  	[sflag:s29] =	ssyncset.done $0x0  }
0x77: {  	[sflag:s29] =	ssyncadd.s32 $0xFFFFF830  }
0x78: {  	_ =	swait.ge [sflag:s29], $0x7D0  }
0x79: {  	[sflag:s29] =	ssyncset.done $0x0  }
0x7a: {  	[sflag:s29] =	ssyncadd.s32 $0xFFFFF830  }
0x7b: {  	v4 =	vor.u32 s1, v0;
	v3 =	vld [tilespmem:s4+$0x0]  }
0x7c: {  	v5 =	vshll.u32 v4, $0x4  }
0x7d: {  	v1 =	vor.u32 $0x1, v5;
	_ =	sdelay $0x2  }
0x7e: {  	v6 =	vor.u32 $0x2, v5  }
0x7f: {  	v7 =	vld.idx.msk [tilespmem:v5+s17+$0x0], $0xffff  }
0x80: {  	v8 =	vld.idx.msk [tilespmem:v1+s17+$0x0], $0xffff  }
0x81: {  	v2 =	vld.idx.msk [tilespmem:v3+s3+$0x0], $0xffff  }
0x82: {  	v1 =	vld.idx.msk [tilespmem:v3+s13+$0x0], $0xffff  }
0x83: {  	v6 =	vld.idx.msk [tilespmem:v6+s17+$0x0], $0xffff  }
0x84: {  	v3 =	vld.idx.msk [tilespmem:v3+s14+$0x0], $0xffff;
	_ =	sdelay $0x2  }
0x85: {  	v7 =	vsub.f32 v2, v7;
	v8 =	vsub.f32 v1, v8;
	_ =	sdelay $0x1  }
0x86: {  	v6 =	vsub.f32 v3, v6;
	v7 =	vmul.f32 v7, v7;
	v8 =	vmul.f32 v8, v8  }
0x87: {  	v4 =	vshll.u32 v4, $0x3  }
0x88: {  	v6 =	vmul.f32 v6, v6;
	v7 =	vadd.f32 v8, v7;
	v8 =	vor.u32 $0x3, v5  }
0x89: {  	v9 =	vor.u32 $0x4, v5  }
0x8a: {  	v6 =	vadd.f32 v6, v7  }
0x8b: {  	v7 =	vor.u32 $0x5, v5  }
0x8c: {  	[tilespmem:v4+s30+$0x0] =	vst.idx.msk $0xffff, v6  }
0x8d: {  	v6 =	vld.idx.msk [tilespmem:v8+s17+$0x0], $0xffff  }
0x8e: {  	v8 =	vld.idx.msk [tilespmem:v9+s17+$0x0], $0xffff;
	_ =	sdelay $0x1  }
0x8f: {  	v7 =	vld.idx.msk [tilespmem:v7+s17+$0x0], $0xffff;
	_ =	sdelay $0x2  }
0x90: {  	v6 =	vsub.f32 v2, v6;
	v8 =	vsub.f32 v1, v8;
	_ =	sdelay $0x1  }
0x91: {  	v7 =	vsub.f32 v3, v7;
	v6 =	vmul.f32 v6, v6;
	v8 =	vmul.f32 v8, v8  }
0x92: {  	v59 =	vor.u32 $0x1, v4  }
0x93: {  	v6 =	vadd.f32 v8, v6;
	v7 =	vmul.f32 v7, v7;
	v8 =	vor.u32 $0x6, v5  }
0x94: {  	v10 =	vor.u32 $0x7, v5  }
0x95: {  	v6 =	vadd.f32 v7, v6  }
0x96: {  	v7 =	vor.u32 $0x8, v5  }
0x97: {  	[tilespmem:v59+s30+$0x0] =	vst.idx.msk $0xffff, v6  }
0x98: {  	v6 =	vld.idx.msk [tilespmem:v8+s17+$0x0], $0xffff  }
0x99: {  	v8 =	vld.idx.msk [tilespmem:v10+s17+$0x0], $0xffff;
	_ =	sdelay $0x1  }
0x9a: {  	v7 =	vld.idx.msk [tilespmem:v7+s17+$0x0], $0xffff;
	_ =	sdelay $0x2  }
0x9b: {  	v6 =	vsub.f32 v2, v6;
	v8 =	vsub.f32 v1, v8;
	_ =	sdelay $0x1  }
0x9c: {  	v7 =	vsub.f32 v3, v7;
	v6 =	vmul.f32 v6, v6;
	v8 =	vmul.f32 v8, v8  }
0x9d: {  	v60 =	vor.u32 $0x2, v4  }
0x9e: {  	v6 =	vadd.f32 v8, v6;
	v7 =	vmul.f32 v7, v7;
	v8 =	vor.u32 $0xA, v5  }
0x9f: {  	v61 =	vor.u32 $0x9, v5  }
0xa0: {  	v6 =	vadd.f32 v7, v6  }
0xa1: {  	v7 =	vor.u32 $0xB, v5  }
0xa2: {  	[tilespmem:v60+s30+$0x0] =	vst.idx.msk $0xffff, v6  }
0xa3: {  	v6 =	vld.idx.msk [tilespmem:v8+s17+$0x0], $0xffff  }
0xa4: {  	v8 =	vld.idx.msk [tilespmem:v61+s17+$0x0], $0xffff;
	_ =	sdelay $0x1  }
0xa5: {  	v7 =	vld.idx.msk [tilespmem:v7+s17+$0x0], $0xffff;
	_ =	sdelay $0x2  }
0xa6: {  	v6 =	vsub.f32 v1, v6;
	v8 =	vsub.f32 v2, v8;
	_ =	sdelay $0x1  }
0xa7: {  	v7 =	vsub.f32 v3, v7;
	v8 =	vmul.f32 v8, v8;
	v6 =	vmul.f32 v6, v6  }
0xa8: {  	v62 =	vor.u32 $0x3, v4  }
0xa9: {  	v6 =	vadd.f32 v6, v8;
	v7 =	vmul.f32 v7, v7;
	v8 =	vor.u32 $0xC, v5  }
0xaa: {  	v63 =	vor.u32 $0xD, v5  }
0xab: {  	v11 =	vor.u32 $0xE, v5;
	v6 =	vadd.f32 v7, v6;
	_ =	sdelay $0x1  }
0xac: {  	[tilespmem:v62+s30+$0x0] =	vst.idx.msk $0xffff, v6  }
0xad: {  	v7 =	vld.idx.msk [tilespmem:v8+s17+$0x0], $0xffff  }
0xae: {  	v5 =	vld.idx.msk [tilespmem:v63+s17+$0x0], $0xffff  }
0xaf: {  	s1 =	simm.s32 $0x10;
	v6 =	vld.idx.msk [tilespmem:v11+s17+$0x0], $0xffff  }
.LBB2_3:
0xb0: {  	_ = 	snop  }
0xb1: {  	p0 =	sne.s32 s1, $0x7C0  }
0xb2: {  	s4 =	sadd.s32 $0x10, s4;
	s6 =	smov.u32 s1;
	s1 =	sadd.s32 $0x10, s1;
	v2 =	vsub.f32 v2, v7  }
0xb3: {  	v1 =	vsub.f32 v1, v5  }
0xb4: {  	v3 =	vsub.f32 v3, v6;
	v2 =	vmul.f32 v2, v2  }
0xb5: {  	v4 =	vor.u32 $0x4, v4;
	v1 =	vmul.f32 v1, v1  }
0xb6: {  	v3 =	vmul.f32 v3, v3  }
0xb7: {  	v1 =	vadd.f32 v1, v2;
	_ =	sdelay $0x1  }
0xb8: {  	v1 =	vadd.f32 v3, v1;
	_ =	sdelay $0x1  }
0xb9: {  	v6 =	vor.u32 s6, v0;
	[tilespmem:v4+s30+$0x0] =	vst.idx.msk $0xffff, v1  }
0xba: {  	v5 =	vshll.u32 v6, $0x4;
	v3 =	vld [tilespmem:s4+$0x0]  }
0xbb: {  	v1 =	vor.u32 $0x1, v5;
	v4 =	vor.u32 $0x2, v5;
	_ =	sdelay $0x3  }
0xbc: {  	v7 =	vld.idx.msk [tilespmem:v5+s17+$0x0], $0xffff;
	_ =	sdelay $0x1  }
0xbd: {  	v8 =	vld.idx.msk [tilespmem:v1+s17+$0x0], $0xffff  }
0xbe: {  	v2 =	vld.idx.msk [tilespmem:v3+s3+$0x0], $0xffff  }
0xbf: {  	v1 =	vld.idx.msk [tilespmem:v3+s13+$0x0], $0xffff  }
0xc0: {  	v4 =	vld.idx.msk [tilespmem:v4+s17+$0x0], $0xffff  }
0xc1: {  	v3 =	vld.idx.msk [tilespmem:v3+s14+$0x0], $0xffff;
	_ =	sdelay $0x2  }
0xc2: {  	v7 =	vsub.f32 v2, v7  }
0xc3: {  	v8 =	vsub.f32 v1, v8;
	_ =	sdelay $0x1  }
0xc4: {  	v7 =	vmul.f32 v7, v7;
	v9 =	vsub.f32 v3, v4;
	v8 =	vmul.f32 v8, v8  }
0xc5: {  	v4 =	vshll.u32 v6, $0x3  }
0xc6: {  	v6 =	vadd.f32 v8, v7;
	v7 =	vmul.f32 v9, v9;
	v8 =	vor.u32 $0x3, v5  }
0xc7: {  	v9 =	vor.u32 $0x4, v5  }
0xc8: {  	v6 =	vadd.f32 v7, v6  }
0xc9: {  	v7 =	vor.u32 $0x5, v5  }
0xca: {  	[tilespmem:v4+s30+$0x0] =	vst.idx.msk $0xffff, v6  }
0xcb: {  	v6 =	vld.idx.msk [tilespmem:v8+s17+$0x0], $0xffff  }
0xcc: {  	v8 =	vld.idx.msk [tilespmem:v9+s17+$0x0], $0xffff;
	_ =	sdelay $0x1  }
0xcd: {  	v7 =	vld.idx.msk [tilespmem:v7+s17+$0x0], $0xffff;
	_ =	sdelay $0x2  }
0xce: {  	v6 =	vsub.f32 v2, v6  }
0xcf: {  	v8 =	vsub.f32 v1, v8;
	_ =	sdelay $0x1  }
0xd0: {  	v6 =	vmul.f32 v6, v6;
	v7 =	vsub.f32 v3, v7;
	v8 =	vmul.f32 v8, v8  }
0xd1: {  	v9 =	vor.u32 $0x1, v4  }
0xd2: {  	v6 =	vadd.f32 v8, v6;
	v7 =	vmul.f32 v7, v7;
	v8 =	vor.u32 $0x6, v5  }
0xd3: {  	v10 =	vor.u32 $0x7, v5  }
0xd4: {  	v6 =	vadd.f32 v7, v6  }
0xd5: {  	v7 =	vor.u32 $0x8, v5  }
0xd6: {  	[tilespmem:v9+s30+$0x0] =	vst.idx.msk $0xffff, v6  }
0xd7: {  	v6 =	vld.idx.msk [tilespmem:v8+s17+$0x0], $0xffff  }
0xd8: {  	v8 =	vld.idx.msk [tilespmem:v10+s17+$0x0], $0xffff;
	_ =	sdelay $0x1  }
0xd9: {  	v7 =	vld.idx.msk [tilespmem:v7+s17+$0x0], $0xffff;
	_ =	sdelay $0x2  }
0xda: {  	v6 =	vsub.f32 v2, v6  }
0xdb: {  	v8 =	vsub.f32 v1, v8;
	_ =	sdelay $0x1  }
0xdc: {  	v6 =	vmul.f32 v6, v6;
	v7 =	vsub.f32 v3, v7;
	v8 =	vmul.f32 v8, v8  }
0xdd: {  	v9 =	vor.u32 $0x2, v4  }
0xde: {  	v6 =	vadd.f32 v8, v6;
	v7 =	vmul.f32 v7, v7;
	v8 =	vor.u32 $0xA, v5  }
0xdf: {  	v10 =	vor.u32 $0x9, v5  }
0xe0: {  	v6 =	vadd.f32 v7, v6;
	v7 =	vor.u32 $0xB, v5;
	_ =	sdelay $0x1  }
0xe1: {  	[tilespmem:v9+s30+$0x0] =	vst.idx.msk $0xffff, v6  }
0xe2: {  	v6 =	vld.idx.msk [tilespmem:v8+s17+$0x0], $0xffff  }
0xe3: {  	v8 =	vld.idx.msk [tilespmem:v10+s17+$0x0], $0xffff  }
0xe4: {  	v7 =	vld.idx.msk [tilespmem:v7+s17+$0x0], $0xffff;
	_ =	sdelay $0x3  }
0xe5: {  	v6 =	vsub.f32 v1, v6  }
0xe6: {  	v8 =	vsub.f32 v2, v8  }
0xe7: {  	v7 =	vsub.f32 v3, v7  }
0xe8: {  	v6 =	vmul.f32 v6, v6;
	v8 =	vmul.f32 v8, v8  }
0xe9: {  	v9 =	vor.u32 $0x3, v4;
	v10 =	vor.u32 $0xD, v5  }
0xea: {  	v7 =	vmul.f32 v7, v7;
	v6 =	vadd.f32 v6, v8;
	v8 =	vor.u32 $0xC, v5;
	_ =	sdelay $0x1  }
0xeb: {  	v11 =	vor.u32 $0xE, v5;
	v6 =	vadd.f32 v7, v6  }
.Ltmp0:
0xec: {  	(pc) =	sbr.rel @p0 .LBB2_3-.Ltmp0, $4  }
0xed: {  	[tilespmem:v9+s30+$0x0] =	vst.idx.msk $0xffff, v6  }
0xee: {  	v7 =	vld.idx.msk [tilespmem:v8+s17+$0x0], $0xffff  }
0xef: {  	v5 =	vld.idx.msk [tilespmem:v10+s17+$0x0], $0xffff  }
0xf0: {  	v6 =	vld.idx.msk [tilespmem:v11+s17+$0x0], $0xffff  }
0xf1: {  	_ =	sdelay $0x2  }
0xf2: {  	v2 =	vsub.f32 v2, v7;
	v1 =	vsub.f32 v1, v5;
	_ =	sdelay $0x1  }
0xf3: {  	v3 =	vsub.f32 v3, v6;
	v2 =	vmul.f32 v2, v2;
	v1 =	vmul.f32 v1, v1  }
0xf4: {  	v4 =	vor.u32 $0x4, v4  }
0xf5: {  	v3 =	vmul.f32 v3, v3;
	v1 =	vadd.f32 v1, v2;
	_ =	sdelay $0x1  }
0xf6: {  	s31 =	sadd.s32 $0x1, s31;
	v1 =	vadd.f32 v3, v1  }
0xf7: {  	s1 =	rddreg [dreg:$0x1];
	p0 =	sne.s32 s31, $0x5  }
.Ltmp1:
0xf8: {  	s0 =	sadd.s32 s1, s0;
	[tilespmem:v4+s30+$0x0] =	vst.idx.msk $0xffff, v1;
	(pc) =	sbr.rel @p0 .LBB2_2-.Ltmp1, $4  }
0xf9: {  	[hbm4b:s0+s3] =	stream.linear.scatter [tilespmem:s30], [sflag:$0x2], $0x3E80, $0x38;
	[tilespmem:$0x14080] =	vst v63  }
0xfa: {  	_ =	swait.ge [sflag:s12], $0x3E80  }
0xfb: {  	[sflag:s12] =	ssyncset.done $0x0  }
0xfc: {  	[sflag:s12] =	ssyncadd.s32 $0xFFFFC180  }
0xfd: {  	s1 =	rddreg [dreg:$0x6]  }
0xfe: {  	s0 =	rddreg [dreg:$0x5];
	s1 =	sadd.s32 $0x1, s1  }
0xff: {  	p0 =	sne.s32 s1, s0  }
.Ltmp2:
0x100: {  	_ = 	snop;
	(pc) =	sbr.rel @p0 .LBB2_1-.Ltmp2, $1  }
0x101: {  	_ =	sdelay $0x3  }
0x102: {  	_ =	sfence.sel $0x180000  }
0x103: {  	[bflag:$0x0] =	sbarrier.arrive $0xFFFF  }
0x104: {  	_ =	strace $0x90000047  }
0x105: {  	s0 =	stileid.u32;
	[bflag:$0x2] =	sbarrier.arrive $0xFFFF  }
0x106: {  	p0 =	sne.s32 s0, $0x0;
	s0 =	rddreg [dreg:$0x2]  }
0x107: {  	s0 =	sadd.s32 @!p0 $0x100000, s0  }
0x108: {  	[sflag:s0] =	ssyncadd.tile.s32 @!p0 $0x1;
	_ =	shalt  }
.Lfunc_end2:
_tile_overlayer_lowered:
.L_overlay_start_2:
0x109: {  	(tag) =	ssettag $0x2  }
0x10a: {  	s0 =	rddreg [dreg:$0x0];
	s2 =	stileid.u32  }
0x10b: {  	s1 =	rddreg [dreg:$0x1];
	p0 =	sne.s32 s2, $0x0  }
0x10c: {  	s3 =	rddreg [dreg:$0x2];
	[bflag:$0x3] =	sbarrier.arrive $0xFFFF;
	s2 =	simm.s32 @!p0 $0x1C02  }
0x10d: {  	[timem:s3], [sflag:s2] =	dma.local @!p0 [hbm:s0], s1  }
0x10e: {  	s0 =	simm.s32 @!p0 $0x2  }
0x10f: {  	_ =	swait.ge @!p0 [sflag:s0], s1  }
0x110: {  	s1 =	ssub.s32 @!p0 $0x0, s1;
	[sflag:s0] =	ssyncset.done @!p0 $0x0  }
0x111: {  	[sflag:s0] =	ssyncadd.s32 @!p0 s1  }
0x112: {  	[bflag:$0x3] =	sbarrier.arrive $0xFFFF  }
0x113: {  	_ =	shalt  }

</sc_bundles>
